<compile_context>
chip_gen: v7x
topology: tpu7x:2x2x1
jax: 0.10.2.dev20260603
libtpu: 0.0.44.dev20260713+nightly
codegen_flags: <defaults>
</compile_context>

<pallas_src>
import functools

import jax
import jax.numpy as jnp
from jax import lax
from jax.experimental import pallas as pl
from jax.experimental.pallas import tpu as pltpu
from jax.experimental.pallas import tpu_sc as plsc

NC = 2
NS = 16
BLK = 2048
MAGIC = 0x5F3759DF


def _sc_aggregate(x, edge_index, n, f, npad, e, ch):
    FP = 8
    np16 = npad // NS
    xc = np16 // 16
    n_node_chunks = np16 // xc
    ec = e // (NC * NS)
    deg_per_tile = e // NS
    n_deg_chunks = deg_per_tile // ch
    n_edge_chunks = ec // ch
    flat = xc * FP

    mesh = plsc.VectorSubcoreMesh(core_axis_name="c", subcore_axis_name="s")

    @functools.partial(
        pl.kernel,
        out_type=jax.ShapeDtypeStruct((NC * npad // 128, FP, 128),
                                      jnp.float32),
        mesh=mesh,
        compiler_params=pltpu.CompilerParams(
            needs_layout_passes=False, use_tc_tiling_on_sc=False),
        scratch_types=[
            pltpu.VMEM_SHARED((npad, FP), jnp.float32),
            pltpu.VMEM_SHARED((npad, FP), jnp.float32),
            pltpu.VMEM_SHARED((npad,), jnp.float32),
            pltpu.VMEM((ch,), jnp.float32),
            pltpu.VMEM((np16,), jnp.float32),
            pltpu.VMEM((xc * f,), jnp.float32),
            pltpu.VMEM((xc, FP), jnp.float32),
            pltpu.VMEM((FP, 128), jnp.float32),
            pltpu.VMEM((ch,), jnp.int32),
            pltpu.VMEM((ch,), jnp.int32),
            pltpu.VMEM((ch, FP), jnp.float32),
            pltpu.SemaphoreType.DMA,
            pltpu.SemaphoreType.DMA,
        ],
    )
    def sc_kernel(x_hbm, edge_hbm, agg_hbm,
                  xs_sh, agg_sh, deg_sh,
                  ones_v, dinv_v, x6_v, x8_v, xt_v, sidx_v, didx_v, rows_v,
                  sem1, sem2):
        c = lax.axis_index("c")
        s = lax.axis_index("s")
        t0 = s * np16
        lane = lax.iota(jnp.int32, 16)
        fvec = jnp.full((16,), jnp.int32(f), jnp.int32)

        def fill_ones(i, carry):
            ones_v[pl.ds(i * 16, 16)] = jnp.full((16,), 1.0, jnp.float32)
            return carry
        lax.fori_loop(0, ch // 16, fill_ones, 0)
        for q in range(np16 // xc):
            pltpu.sync_copy(ones_v.at[pl.ds(0, xc)],
                            deg_sh.at[pl.ds(t0 + q * xc, xc)])
        plsc.subcore_barrier()

        def deg_step(i, carry):
            off = s * deg_per_tile + i * ch
            pltpu.sync_copy(edge_hbm.at[1, pl.ds(off, ch)], didx_v)
            pltpu.sync_copy(ones_v.at[pl.ds(0, ch)], deg_sh.at[didx_v],
                            add=True)
            return carry
        lax.fori_loop(0, n_deg_chunks, deg_step, 0)
        plsc.subcore_barrier()

        pltpu.sync_copy(deg_sh.at[pl.ds(t0, np16)], dinv_v)
        magic = jnp.full((16,), MAGIC, jnp.int32)
        def rsq_step(i, carry):
            y = dinv_v[pl.ds(i * 16, 16)]
            bi = magic - lax.shift_right_arithmetic(
                plsc.bitcast(y, jnp.int32), 1)
            z = plsc.bitcast(bi, jnp.float32)
            z = z * (1.5 - 0.5 * y * z * z)
            z = z * (1.5 - 0.5 * y * z * z)
            z = z * (1.5 - 0.5 * y * z * z)
            dinv_v[pl.ds(i * 16, 16)] = z
            return carry
        lax.fori_loop(0, np16 // 16, rsq_step, 0)

        zero16 = jnp.zeros((16,), jnp.float32)
        rr8 = lax.shift_right_arithmetic(lane, 3)
        cc8 = lane & 7

        def node_chunk(ci, carry):
            go = t0 + ci * xc
            lb = ci * xc

            @pl.when(go + xc <= n)
            def _():
                pltpu.sync_copy(x_hbm.at[pl.ds(go * f, xc * f)], x6_v)

            @pl.when(go + xc > n)
            def _():
                def zstep(j, carry2):
                    plsc.store_scatter(x6_v, [j * 16 + lane], zero16)
                    return carry2
                lax.fori_loop(0, (xc * f) // 16, zstep, 0)
                tail = n - (n // xc) * xc
                if tail:
                    pltpu.sync_copy(
                        x_hbm.at[pl.ds((n // xc) * xc * f, tail * f)],
                        x6_v.at[pl.ds(0, tail * f)])

            def xs_step(j, carry2):
                row = rr8 + 2 * j
                d16 = plsc.load_gather(dinv_v, [lb + row])
                v16 = plsc.load_gather(
                    x6_v, [row * f + jnp.minimum(cc8, jnp.int32(f - 1))])
                val = jnp.where(cc8 < f, v16 * d16, 0.0)
                plsc.store_scatter(x8_v, [row, cc8], val)
                return carry2
            lax.fori_loop(0, flat // 16, xs_step, 0)
            pltpu.sync_copy(x8_v, xs_sh.at[pl.ds(go, xc)])

            @pl.when(c == 0)
            def _():
                pltpu.sync_copy(x8_v, agg_sh.at[pl.ds(go, xc)])
            return carry
        lax.fori_loop(0, n_node_chunks, node_chunk, 0)

        @pl.when(c == 1)
        def _():
            def z8step(j, carry2):
                plsc.store_scatter(x8_v, [rr8 + 2 * j, cc8], zero16)
                return carry2
            lax.fori_loop(0, flat // 16, z8step, 0)
            def zc_step(ci, carry2):
                pltpu.sync_copy(x8_v, agg_sh.at[pl.ds(t0 + ci * xc, xc)])
                return carry2
            lax.fori_loop(0, n_node_chunks, zc_step, 0)
        plsc.subcore_barrier()

        wid = c * NS + s
        def edge_step(i, carry):
            off = wid * ec + i * ch
            cp1 = pltpu.async_copy(edge_hbm.at[0, pl.ds(off, ch)], sidx_v,
                                   sem1)
            cp2 = pltpu.async_copy(edge_hbm.at[1, pl.ds(off, ch)], didx_v,
                                   sem2)
            cp1.wait()
            cp2.wait()
            pltpu.sync_copy(xs_sh.at[sidx_v], rows_v)
            pltpu.sync_copy(rows_v, agg_sh.at[didx_v], add=True)
            return carry
        lax.fori_loop(0, n_edge_chunks, edge_step, 0)
        plsc.subcore_barrier()

        n_out_tiles = np16 // 128
        def out_group(gk, carry):
            go = t0 + gk * 128
            pltpu.sync_copy(agg_sh.at[pl.ds(go, 128)],
                            x8_v.at[pl.ds(0, 128)])
            def sc_step(j, carry2):
                row = rr8 + 2 * j
                d16 = plsc.load_gather(dinv_v, [gk * 128 + row])
                v16 = plsc.load_gather(x8_v, [row, cc8])
                plsc.store_scatter(xt_v, [cc8, row], v16 * d16)
                return carry2
            lax.fori_loop(0, 64, sc_step, 0)
            pltpu.sync_copy(
                xt_v, agg_hbm.at[c * (npad // 128) + s * n_out_tiles + gk])
            return carry
        lax.fori_loop(0, n_out_tiles, out_group, 0)

    return sc_kernel(x.reshape(-1), edge_index)


def _tc_dense(agg3, bn2, W1p, b1r, W2, b2r, W3, b3r, n, npad, g, h, a):
    nb = npad // BLK
    tb = BLK // 128
    fp = W1p.shape[0]

    def tc_body(a0_ref, a1_ref, bn_ref,
                w1_ref, b1_ref, w2_ref, b2_ref, w3_ref, b3_ref,
                out_ref, sums_ref, cnt_ref):
        i = pl.program_id(0)

        @pl.when(i == 0)
        def _():
            sums_ref[...] = jnp.zeros_like(sums_ref)
            cnt_ref[...] = jnp.zeros_like(cnt_ref)

        node3 = a0_ref[...] + a1_ref[...]
        h3 = jnp.maximum(
            lax.dot_general(node3, w1_ref[...], (((1,), (0,)), ((), ())),
                            preferred_element_type=jnp.float32)
            + b1_ref[...][None], 0.0)
        ids3 = bn_ref[...][:, None, :]
        onehot3 = (lax.broadcasted_iota(jnp.int32, (tb, g, 128), 1)
                   == ids3).astype(jnp.float32)
        part = lax.dot_general(onehot3, h3, (((2,), (1,)), ((0,), (0,))),
                               preferred_element_type=jnp.float32)
        sums_ref[...] += jnp.sum(part, axis=0)
        cnt_ref[...] += jnp.sum(onehot3, axis=(0, 2))[None]

        @pl.when(i == nb - 1)
        def _():
            cnt = lax.transpose(cnt_ref[...], (1, 0))
            mean = sums_ref[...] / jnp.maximum(cnt, 1.0)
            h2 = jnp.maximum(
                jnp.dot(mean, w2_ref[...], preferred_element_type=jnp.float32)
                + b2_ref[...], 0.0)
            logits = jnp.dot(h2, w3_ref[...],
                             preferred_element_type=jnp.float32) + b3_ref[...]
            m = jnp.max(logits, axis=1, keepdims=True)
            lse = jnp.log(jnp.sum(jnp.exp(logits - m), axis=1,
                                  keepdims=True)) + m
            out_ref[...] = logits - lse

    full = lambda shape: pl.BlockSpec(shape, lambda i: (0,) * len(shape))
    return pl.pallas_call(
        tc_body,
        grid=(nb,),
        in_specs=[
            pl.BlockSpec((tb, fp, 128), lambda i: (i, 0, 0)),
            pl.BlockSpec((tb, fp, 128), lambda i: (i + nb, 0, 0)),
            pl.BlockSpec((tb, 128), lambda i: (i, 0)),
            full((fp, h)), full((1, h)),
            full((h, h)), full((1, h)),
            full((h, a)), full((1, a)),
        ],
        out_specs=pl.BlockSpec((g, a), lambda i: (0, 0)),
        out_shape=jax.ShapeDtypeStruct((g, a), jnp.float32),
        scratch_shapes=[
            pltpu.VMEM((g, h), jnp.float32),
            pltpu.VMEM((1, g), jnp.float32),
        ],
    )(agg3, agg3, bn2, W1p, b1r, W2, b2r, W3, b3r)


def kernel(x, edge_index, batch_number, W1, b1, W2, b2, W3, b3):
    n, f = x.shape
    e = edge_index.shape[1]
    h = W1.shape[1]
    a = W3.shape[1]
    g = 256

    npad = -(-n // BLK) * BLK
    e32 = e // (NC * NS)
    ch = next(c for c in range(1024, 0, -8) if e32 % c == 0)

    agg3 = _sc_aggregate(x, edge_index, n, f, npad, e, ch)
    W1p = jnp.zeros((8, h), jnp.float32).at[:f].set(W1)
    bn2 = jnp.pad(batch_number, (0, npad - n),
                  constant_values=g).reshape(npad // 128, 128)
    return _tc_dense(agg3, bn2, W1p,
                     b1.reshape(1, h), W2, b2.reshape(1, h),
                     W3, b3.reshape(1, a), n, npad, g, h, a)

# --- scband reference (transcript-rebuilt; emitter-appended) ---
"""Pipeline reference for scband-reinforce-graph-72241349919439 (READ-ONLY COPY).

The authoritative reference and input builder live on the scoring server;
editing this copy changes nothing except your own understanding.
"""

import jax, jax.numpy as jnp
import numpy as np

N = 100000
E = 1600000
F_IN = 6
H = 64
A = 16
G = 256

def setup_inputs(seed: int = 0) -> dict:
    key = jax.random.key(seed)
    k1, k2, k3, k4, k5, k6 = jax.random.split(key, 6)
    x = jax.random.normal(k1, (N, F_IN), dtype=jnp.float32)
    edge_index = jax.random.randint(k2, (2, E), 0, N, dtype=jnp.int32)
    batch_number = jnp.sort(jax.random.randint(k3, (N,), 0, G, dtype=jnp.int32))
    # GCNConv(6, H) weight + bias
    W1 = jax.random.normal(k4, (F_IN, H), dtype=jnp.float32) * (1.0 / np.sqrt(F_IN))
    b1 = jnp.zeros((H,), dtype=jnp.float32)
    # linear(H, H)
    W2 = jax.random.normal(k5, (H, H), dtype=jnp.float32) * (1.0 / np.sqrt(H))
    b2 = jnp.zeros((H,), dtype=jnp.float32)
    # linear2(H, A)
    W3 = jax.random.normal(k6, (H, A), dtype=jnp.float32) * (1.0 / np.sqrt(H))
    b3 = jnp.zeros((A,), dtype=jnp.float32)
    return {"x": x, "edge_index": edge_index, "batch_number": batch_number,
            "W1": W1, "b1": b1, "W2": W2, "b2": b2, "W3": W3, "b3": b3}

def _gcn_conv(x, edge_index, W, b):
    n = x.shape[0]
    h = x @ W
    src = edge_index[0]
    dst = edge_index[1]
    # add self loops (PyG GCNConv default)
    loop = jnp.arange(n, dtype=src.dtype)
    src = jnp.concatenate([src, loop])
    dst = jnp.concatenate([dst, loop])
    ones = jnp.ones(dst.shape, dtype=h.dtype)
    deg = jax.ops.segment_sum(ones, dst, num_segments=n)
    dinv = jnp.where(deg > 0, 1.0 / jnp.sqrt(deg), 0.0)
    norm = dinv[src] * dinv[dst]
    msg = h[src] * norm[:, None]
    out = jax.ops.segment_sum(msg, dst, num_segments=n)
    return out + b

def reference(x, edge_index, batch_number, W1, b1, W2, b2, W3, b3):
    h = jax.nn.relu(_gcn_conv(x, edge_index, W1, b1))
    # scatter_mean over batch_number -> graph-level readout
    sums = jax.ops.segment_sum(h, batch_number, num_segments=G)
    cnt = jax.ops.segment_sum(jnp.ones((h.shape[0],), dtype=h.dtype), batch_number, num_segments=G)
    mean = sums / jnp.clip(cnt, 1.0)[:, None]
    h2 = jax.nn.relu(mean @ W2 + b2)
    logits = h2 @ W3 + b3
    return jax.nn.log_softmax(logits, axis=1)

if __name__ == "__main__":
    import jax
    _d = setup_inputs()
    print(jax.jit(kernel)(*tuple(_d.values())))

</pallas_src>

<mosaic_0001>
#map = affine_map<(d0, d1) -> (0)>
#map1 = affine_map<(d0, d1) -> (0, 0)>
#map2 = affine_map<(d0, d1) -> (0, 0, 0)>
module attributes {stable_mosaic.version = 14 : i64} {
  func.func @sc_kernel(%arg0: i32, %arg1: i32, %arg2: memref<600000xf32, #tpu.memory_space<hbm>>, %arg3: memref<2x1600000xi32, #tpu.memory_space<hbm>>, %arg4: memref<1568x8x128xf32, #tpu.memory_space<hbm>>, %arg5: memref<100352x8xf32, #tpu.memory_space<vmem_shared>>, %arg6: memref<100352x8xf32, #tpu.memory_space<vmem_shared>>, %arg7: memref<100352xf32, #tpu.memory_space<vmem_shared>>, %arg8: memref<1000xf32, #tpu.memory_space<vmem>>, %arg9: memref<6272xf32, #tpu.memory_space<vmem>>, %arg10: memref<2352xf32, #tpu.memory_space<vmem>>, %arg11: memref<392x8xf32, #tpu.memory_space<vmem>>, %arg12: memref<8x128xf32, #tpu.memory_space<vmem>>, %arg13: memref<1000xi32, #tpu.memory_space<vmem>>, %arg14: memref<1000xi32, #tpu.memory_space<vmem>>, %arg15: memref<1000x8xf32, #tpu.memory_space<vmem>>, %arg16: memref<!tpu.dma_semaphore, #tpu.memory_space<semaphore_mem>>, %arg17: memref<!tpu.dma_semaphore, #tpu.memory_space<semaphore_mem>>) attributes {dimension_semantics = [#tpu.dimension_semantics<core_parallel>, #tpu.dimension_semantics<subcore_parallel>], iteration_bounds = array<i64: 2, 16>, scalar_prefetch = 0 : i64, scratch_operands = 13 : i64, tpu.core_type = #tpu.core_type<sc_vector_subcore>, window_params = [{transform_indices = #map}, {transform_indices = #map1}, {transform_indices = #map2}]} {
    %mul3A = arith.constant 6272 : i32
    %mul3A_0 = arith.muli %arg1, %mul3A : i32
    %iota3A = tpu.iota {dimensions = array<i32: 0>} : vector<16xi32>
    %broadcast_in_dim3A = arith.constant 6 : i32
    %broadcast_in_dim3A_1 = vector.broadcast %broadcast_in_dim3A : i32 to vector<16xi32>
    %scan3A = arith.constant 0 : i32
    %scan3A_2 = arith.constant 0 : i32
    %scan3A_3 = arith.constant 62 : i32
    %scan3A_4 = arith.addi %scan3A_2, %scan3A_3 : i32
    %scan3A_5 = arith.constant 1 : i32
    scf.for %scan3A_84 = %scan3A_2 to %scan3A_4 step %scan3A_5  : i32 {
      %broadcast_in_dim3A_85 = arith.constant 1.000000e+00 : f32
      %broadcast_in_dim3A_86 = vector.broadcast %broadcast_in_dim3A_85 : f32 to vector<16xf32>
      %mul3A_87 = arith.constant 16 : i32
      %mul3A_88 = arith.muli %scan3A_84, %mul3A_87 : i32
      %swap3A = arith.index_cast %mul3A_88 : i32 to index
      %swap3A_89 = tpu.vector_load %arg8[%swap3A] {strides = array<i32>} : memref<1000xf32, #tpu.memory_space<vmem>>, vector<16xf32>,
      tpu.vector_store %arg8[%swap3A], %broadcast_in_dim3A_86 {strides = array<i32>} : memref<1000xf32, #tpu.memory_space<vmem>>, vector<16xf32>,
    }
    %scan3A_6 = arith.constant 62 : i32
    %add3A = arith.constant 0 : i32
    %add3A_7 = arith.addi %mul3A_0, %add3A : i32
    "tpu.region"() ({
      %run_scoped3A = tpu.sem_alloc : memref<!tpu.dma_semaphore, #tpu.memory_space<semaphore_mem>>
      %dma_start3A = arith.constant 0 : i32
      %dma_start3A_84 = tpu.memref_slice %arg8[%dma_start3A] : memref<1000xf32, #tpu.memory_space<vmem>> -> memref<392xf32, #tpu.memory_space<vmem>>
      %dma_start3A_85 = tpu.memref_slice %arg7[%add3A_7] : memref<100352xf32, #tpu.memory_space<vmem_shared>> -> memref<392xf32, #tpu.memory_space<vmem_shared>>
      %dma_start3A_86 = tpu.memref_slice %arg7[%add3A_7] : memref<100352xf32, #tpu.memory_space<vmem_shared>> -> memref<392xf32, #tpu.memory_space<vmem_shared>>
      %dma_start3A_87 = arith.constant 0 : i32
      %dma_start3A_88 = tpu.memref_slice %arg8[%dma_start3A_87] : memref<1000xf32, #tpu.memory_space<vmem>> -> memref<392xf32, #tpu.memory_space<vmem>>
      tpu.enqueue_dma source(%dma_start3A_88 : memref<392xf32, #tpu.memory_space<vmem>>) target(%dma_start3A_86 : memref<392xf32, #tpu.memory_space<vmem_shared>>) target_semaphore(%run_scoped3A : memref<!tpu.dma_semaphore, #tpu.memory_space<semaphore_mem>>)
      %dma_wait3A = arith.constant 0 : i32
      %dma_wait3A_89 = tpu.memref_slice %arg8[%dma_wait3A] : memref<1000xf32, #tpu.memory_space<vmem>> -> memref<392xf32, #tpu.memory_space<vmem>>
      %dma_wait3A_90 = tpu.memref_slice %arg7[%add3A_7] : memref<100352xf32, #tpu.memory_space<vmem_shared>> -> memref<392xf32, #tpu.memory_space<vmem_shared>>
      %dma_wait3A_91 = tpu.memref_slice %arg7[%add3A_7] : memref<100352xf32, #tpu.memory_space<vmem_shared>> -> memref<392xf32, #tpu.memory_space<vmem_shared>>
      %dma_wait3A_92 = arith.constant 0 : i32
      %dma_wait3A_93 = tpu.memref_slice %arg8[%dma_wait3A_92] : memref<1000xf32, #tpu.memory_space<vmem>> -> memref<392xf32, #tpu.memory_space<vmem>>
      tpu.wait_dma2 semaphore(%run_scoped3A : memref<!tpu.dma_semaphore, #tpu.memory_space<semaphore_mem>>) src(%dma_wait3A_93 : memref<392xf32, #tpu.memory_space<vmem>>) dst(%dma_wait3A_91 : memref<392xf32, #tpu.memory_space<vmem_shared>>)
      tpu.yield
    }) : () -> ()
    %add3A_8 = arith.constant 392 : i32
    %add3A_9 = arith.addi %mul3A_0, %add3A_8 : i32
    "tpu.region"() ({
      %run_scoped3A = tpu.sem_alloc : memref<!tpu.dma_semaphore, #tpu.memory_space<semaphore_mem>>
      %dma_start3A = arith.constant 0 : i32
      %dma_start3A_84 = tpu.memref_slice %arg8[%dma_start3A] : memref<1000xf32, #tpu.memory_space<vmem>> -> memref<392xf32, #tpu.memory_space<vmem>>
      %dma_start3A_85 = tpu.memref_slice %arg7[%add3A_9] : memref<100352xf32, #tpu.memory_space<vmem_shared>> -> memref<392xf32, #tpu.memory_space<vmem_shared>>
      %dma_start3A_86 = tpu.memref_slice %arg7[%add3A_9] : memref<100352xf32, #tpu.memory_space<vmem_shared>> -> memref<392xf32, #tpu.memory_space<vmem_shared>>
      %dma_start3A_87 = arith.constant 0 : i32
      %dma_start3A_88 = tpu.memref_slice %arg8[%dma_start3A_87] : memref<1000xf32, #tpu.memory_space<vmem>> -> memref<392xf32, #tpu.memory_space<vmem>>
      tpu.enqueue_dma source(%dma_start3A_88 : memref<392xf32, #tpu.memory_space<vmem>>) target(%dma_start3A_86 : memref<392xf32, #tpu.memory_space<vmem_shared>>) target_semaphore(%run_scoped3A : memref<!tpu.dma_semaphore, #tpu.memory_space<semaphore_mem>>)
      %dma_wait3A = arith.constant 0 : i32
      %dma_wait3A_89 = tpu.memref_slice %arg8[%dma_wait3A] : memref<1000xf32, #tpu.memory_space<vmem>> -> memref<392xf32, #tpu.memory_space<vmem>>
      %dma_wait3A_90 = tpu.memref_slice %arg7[%add3A_9] : memref<100352xf32, #tpu.memory_space<vmem_shared>> -> memref<392xf32, #tpu.memory_space<vmem_shared>>
      %dma_wait3A_91 = tpu.memref_slice %arg7[%add3A_9] : memref<100352xf32, #tpu.memory_space<vmem_shared>> -> memref<392xf32, #tpu.memory_space<vmem_shared>>
      %dma_wait3A_92 = arith.constant 0 : i32
      %dma_wait3A_93 = tpu.memref_slice %arg8[%dma_wait3A_92] : memref<1000xf32, #tpu.memory_space<vmem>> -> memref<392xf32, #tpu.memory_space<vmem>>
      tpu.wait_dma2 semaphore(%run_scoped3A : memref<!tpu.dma_semaphore, #tpu.memory_space<semaphore_mem>>) src(%dma_wait3A_93 : memref<392xf32, #tpu.memory_space<vmem>>) dst(%dma_wait3A_91 : memref<392xf32, #tpu.memory_space<vmem_shared>>)
      tpu.yield
    }) : () -> ()
    %add3A_10 = arith.constant 784 : i32
    %add3A_11 = arith.addi %mul3A_0, %add3A_10 : i32
    "tpu.region"() ({
      %run_scoped3A = tpu.sem_alloc : memref<!tpu.dma_semaphore, #tpu.memory_space<semaphore_mem>>
      %dma_start3A = arith.constant 0 : i32
      %dma_start3A_84 = tpu.memref_slice %arg8[%dma_start3A] : memref<1000xf32, #tpu.memory_space<vmem>> -> memref<392xf32, #tpu.memory_space<vmem>>
      %dma_start3A_85 = tpu.memref_slice %arg7[%add3A_11] : memref<100352xf32, #tpu.memory_space<vmem_shared>> -> memref<392xf32, #tpu.memory_space<vmem_shared>>
      %dma_start3A_86 = tpu.memref_slice %arg7[%add3A_11] : memref<100352xf32, #tpu.memory_space<vmem_shared>> -> memref<392xf32, #tpu.memory_space<vmem_shared>>
      %dma_start3A_87 = arith.constant 0 : i32
      %dma_start3A_88 = tpu.memref_slice %arg8[%dma_start3A_87] : memref<1000xf32, #tpu.memory_space<vmem>> -> memref<392xf32, #tpu.memory_space<vmem>>
      tpu.enqueue_dma source(%dma_start3A_88 : memref<392xf32, #tpu.memory_space<vmem>>) target(%dma_start3A_86 : memref<392xf32, #tpu.memory_space<vmem_shared>>) target_semaphore(%run_scoped3A : memref<!tpu.dma_semaphore, #tpu.memory_space<semaphore_mem>>)
      %dma_wait3A = arith.constant 0 : i32
      %dma_wait3A_89 = tpu.memref_slice %arg8[%dma_wait3A] : memref<1000xf32, #tpu.memory_space<vmem>> -> memref<392xf32, #tpu.memory_space<vmem>>
      %dma_wait3A_90 = tpu.memref_slice %arg7[%add3A_11] : memref<100352xf32, #tpu.memory_space<vmem_shared>> -> memref<392xf32, #tpu.memory_space<vmem_shared>>
      %dma_wait3A_91 = tpu.memref_slice %arg7[%add3A_11] : memref<100352xf32, #tpu.memory_space<vmem_shared>> -> memref<392xf32, #tpu.memory_space<vmem_shared>>
      %dma_wait3A_92 = arith.constant 0 : i32
      %dma_wait3A_93 = tpu.memref_slice %arg8[%dma_wait3A_92] : memref<1000xf32, #tpu.memory_space<vmem>> -> memref<392xf32, #tpu.memory_space<vmem>>
      tpu.wait_dma2 semaphore(%run_scoped3A : memref<!tpu.dma_semaphore, #tpu.memory_space<semaphore_mem>>) src(%dma_wait3A_93 : memref<392xf32, #tpu.memory_space<vmem>>) dst(%dma_wait3A_91 : memref<392xf32, #tpu.memory_space<vmem_shared>>)
      tpu.yield
    }) : () -> ()
    %add3A_12 = arith.constant 1176 : i32
    %add3A_13 = arith.addi %mul3A_0, %add3A_12 : i32
    "tpu.region"() ({
      %run_scoped3A = tpu.sem_alloc : memref<!tpu.dma_semaphore, #tpu.memory_space<semaphore_mem>>
      %dma_start3A = arith.constant 0 : i32
      %dma_start3A_84 = tpu.memref_slice %arg8[%dma_start3A] : memref<1000xf32, #tpu.memory_space<vmem>> -> memref<392xf32, #tpu.memory_space<vmem>>
      %dma_start3A_85 = tpu.memref_slice %arg7[%add3A_13] : memref<100352xf32, #tpu.memory_space<vmem_shared>> -> memref<392xf32, #tpu.memory_space<vmem_shared>>
      %dma_start3A_86 = tpu.memref_slice %arg7[%add3A_13] : memref<100352xf32, #tpu.memory_space<vmem_shared>> -> memref<392xf32, #tpu.memory_space<vmem_shared>>
      %dma_start3A_87 = arith.constant 0 : i32
      %dma_start3A_88 = tpu.memref_slice %arg8[%dma_start3A_87] : memref<1000xf32, #tpu.memory_space<vmem>> -> memref<392xf32, #tpu.memory_space<vmem>>
      tpu.enqueue_dma source(%dma_start3A_88 : memref<392xf32, #tpu.memory_space<vmem>>) target(%dma_start3A_86 : memref<392xf32, #tpu.memory_space<vmem_shared>>) target_semaphore(%run_scoped3A : memref<!tpu.dma_semaphore, #tpu.memory_space<semaphore_mem>>)
      %dma_wait3A = arith.constant 0 : i32
      %dma_wait3A_89 = tpu.memref_slice %arg8[%dma_wait3A] : memref<1000xf32, #tpu.memory_space<vmem>> -> memref<392xf32, #tpu.memory_space<vmem>>
      %dma_wait3A_90 = tpu.memref_slice %arg7[%add3A_13] : memref<100352xf32, #tpu.memory_space<vmem_shared>> -> memref<392xf32, #tpu.memory_space<vmem_shared>>
      %dma_wait3A_91 = tpu.memref_slice %arg7[%add3A_13] : memref<100352xf32, #tpu.memory_space<vmem_shared>> -> memref<392xf32, #tpu.memory_space<vmem_shared>>
      %dma_wait3A_92 = arith.constant 0 : i32
      %dma_wait3A_93 = tpu.memref_slice %arg8[%dma_wait3A_92] : memref<1000xf32, #tpu.memory_space<vmem>> -> memref<392xf32, #tpu.memory_space<vmem>>
      tpu.wait_dma2 semaphore(%run_scoped3A : memref<!tpu.dma_semaphore, #tpu.memory_space<semaphore_mem>>) src(%dma_wait3A_93 : memref<392xf32, #tpu.memory_space<vmem>>) dst(%dma_wait3A_91 : memref<392xf32, #tpu.memory_space<vmem_shared>>)
      tpu.yield
    }) : () -> ()
    %add3A_14 = arith.constant 1568 : i32
    %add3A_15 = arith.addi %mul3A_0, %add3A_14 : i32
    "tpu.region"() ({
      %run_scoped3A = tpu.sem_alloc : memref<!tpu.dma_semaphore, #tpu.memory_space<semaphore_mem>>
      %dma_start3A = arith.constant 0 : i32
      %dma_start3A_84 = tpu.memref_slice %arg8[%dma_start3A] : memref<1000xf32, #tpu.memory_space<vmem>> -> memref<392xf32, #tpu.memory_space<vmem>>
      %dma_start3A_85 = tpu.memref_slice %arg7[%add3A_15] : memref<100352xf32, #tpu.memory_space<vmem_shared>> -> memref<392xf32, #tpu.memory_space<vmem_shared>>
      %dma_start3A_86 = tpu.memref_slice %arg7[%add3A_15] : memref<100352xf32, #tpu.memory_space<vmem_shared>> -> memref<392xf32, #tpu.memory_space<vmem_shared>>
      %dma_start3A_87 = arith.constant 0 : i32
      %dma_start3A_88 = tpu.memref_slice %arg8[%dma_start3A_87] : memref<1000xf32, #tpu.memory_space<vmem>> -> memref<392xf32, #tpu.memory_space<vmem>>
      tpu.enqueue_dma source(%dma_start3A_88 : memref<392xf32, #tpu.memory_space<vmem>>) target(%dma_start3A_86 : memref<392xf32, #tpu.memory_space<vmem_shared>>) target_semaphore(%run_scoped3A : memref<!tpu.dma_semaphore, #tpu.memory_space<semaphore_mem>>)
      %dma_wait3A = arith.constant 0 : i32
      %dma_wait3A_89 = tpu.memref_slice %arg8[%dma_wait3A] : memref<1000xf32, #tpu.memory_space<vmem>> -> memref<392xf32, #tpu.memory_space<vmem>>
      %dma_wait3A_90 = tpu.memref_slice %arg7[%add3A_15] : memref<100352xf32, #tpu.memory_space<vmem_shared>> -> memref<392xf32, #tpu.memory_space<vmem_shared>>
      %dma_wait3A_91 = tpu.memref_slice %arg7[%add3A_15] : memref<100352xf32, #tpu.memory_space<vmem_shared>> -> memref<392xf32, #tpu.memory_space<vmem_shared>>
      %dma_wait3A_92 = arith.constant 0 : i32
      %dma_wait3A_93 = tpu.memref_slice %arg8[%dma_wait3A_92] : memref<1000xf32, #tpu.memory_space<vmem>> -> memref<392xf32, #tpu.memory_space<vmem>>
      tpu.wait_dma2 semaphore(%run_scoped3A : memref<!tpu.dma_semaphore, #tpu.memory_space<semaphore_mem>>) src(%dma_wait3A_93 : memref<392xf32, #tpu.memory_space<vmem>>) dst(%dma_wait3A_91 : memref<392xf32, #tpu.memory_space<vmem_shared>>)
      tpu.yield
    }) : () -> ()
    %add3A_16 = arith.constant 1960 : i32
    %add3A_17 = arith.addi %mul3A_0, %add3A_16 : i32
    "tpu.region"() ({
      %run_scoped3A = tpu.sem_alloc : memref<!tpu.dma_semaphore, #tpu.memory_space<semaphore_mem>>
      %dma_start3A = arith.constant 0 : i32
      %dma_start3A_84 = tpu.memref_slice %arg8[%dma_start3A] : memref<1000xf32, #tpu.memory_space<vmem>> -> memref<392xf32, #tpu.memory_space<vmem>>
      %dma_start3A_85 = tpu.memref_slice %arg7[%add3A_17] : memref<100352xf32, #tpu.memory_space<vmem_shared>> -> memref<392xf32, #tpu.memory_space<vmem_shared>>
      %dma_start3A_86 = tpu.memref_slice %arg7[%add3A_17] : memref<100352xf32, #tpu.memory_space<vmem_shared>> -> memref<392xf32, #tpu.memory_space<vmem_shared>>
      %dma_start3A_87 = arith.constant 0 : i32
      %dma_start3A_88 = tpu.memref_slice %arg8[%dma_start3A_87] : memref<1000xf32, #tpu.memory_space<vmem>> -> memref<392xf32, #tpu.memory_space<vmem>>
      tpu.enqueue_dma source(%dma_start3A_88 : memref<392xf32, #tpu.memory_space<vmem>>) target(%dma_start3A_86 : memref<392xf32, #tpu.memory_space<vmem_shared>>) target_semaphore(%run_scoped3A : memref<!tpu.dma_semaphore, #tpu.memory_space<semaphore_mem>>)
      %dma_wait3A = arith.constant 0 : i32
      %dma_wait3A_89 = tpu.memref_slice %arg8[%dma_wait3A] : memref<1000xf32, #tpu.memory_space<vmem>> -> memref<392xf32, #tpu.memory_space<vmem>>
      %dma_wait3A_90 = tpu.memref_slice %arg7[%add3A_17] : memref<100352xf32, #tpu.memory_space<vmem_shared>> -> memref<392xf32, #tpu.memory_space<vmem_shared>>
      %dma_wait3A_91 = tpu.memref_slice %arg7[%add3A_17] : memref<100352xf32, #tpu.memory_space<vmem_shared>> -> memref<392xf32, #tpu.memory_space<vmem_shared>>
      %dma_wait3A_92 = arith.constant 0 : i32
      %dma_wait3A_93 = tpu.memref_slice %arg8[%dma_wait3A_92] : memref<1000xf32, #tpu.memory_space<vmem>> -> memref<392xf32, #tpu.memory_space<vmem>>
      tpu.wait_dma2 semaphore(%run_scoped3A : memref<!tpu.dma_semaphore, #tpu.memory_space<semaphore_mem>>) src(%dma_wait3A_93 : memref<392xf32, #tpu.memory_space<vmem>>) dst(%dma_wait3A_91 : memref<392xf32, #tpu.memory_space<vmem_shared>>)
      tpu.yield
    }) : () -> ()
    %add3A_18 = arith.constant 2352 : i32
    %add3A_19 = arith.addi %mul3A_0, %add3A_18 : i32
    "tpu.region"() ({
      %run_scoped3A = tpu.sem_alloc : memref<!tpu.dma_semaphore, #tpu.memory_space<semaphore_mem>>
      %dma_start3A = arith.constant 0 : i32
      %dma_start3A_84 = tpu.memref_slice %arg8[%dma_start3A] : memref<1000xf32, #tpu.memory_space<vmem>> -> memref<392xf32, #tpu.memory_space<vmem>>
      %dma_start3A_85 = tpu.memref_slice %arg7[%add3A_19] : memref<100352xf32, #tpu.memory_space<vmem_shared>> -> memref<392xf32, #tpu.memory_space<vmem_shared>>
      %dma_start3A_86 = tpu.memref_slice %arg7[%add3A_19] : memref<100352xf32, #tpu.memory_space<vmem_shared>> -> memref<392xf32, #tpu.memory_space<vmem_shared>>
      %dma_start3A_87 = arith.constant 0 : i32
      %dma_start3A_88 = tpu.memref_slice %arg8[%dma_start3A_87] : memref<1000xf32, #tpu.memory_space<vmem>> -> memref<392xf32, #tpu.memory_space<vmem>>
      tpu.enqueue_dma source(%dma_start3A_88 : memref<392xf32, #tpu.memory_space<vmem>>) target(%dma_start3A_86 : memref<392xf32, #tpu.memory_space<vmem_shared>>) target_semaphore(%run_scoped3A : memref<!tpu.dma_semaphore, #tpu.memory_space<semaphore_mem>>)
      %dma_wait3A = arith.constant 0 : i32
      %dma_wait3A_89 = tpu.memref_slice %arg8[%dma_wait3A] : memref<1000xf32, #tpu.memory_space<vmem>> -> memref<392xf32, #tpu.memory_space<vmem>>
      %dma_wait3A_90 = tpu.memref_slice %arg7[%add3A_19] : memref<100352xf32, #tpu.memory_space<vmem_shared>> -> memref<392xf32, #tpu.memory_space<vmem_shared>>
      %dma_wait3A_91 = tpu.memref_slice %arg7[%add3A_19] : memref<100352xf32, #tpu.memory_space<vmem_shared>> -> memref<392xf32, #tpu.memory_space<vmem_shared>>
      %dma_wait3A_92 = arith.constant 0 : i32
      %dma_wait3A_93 = tpu.memref_slice %arg8[%dma_wait3A_92] : memref<1000xf32, #tpu.memory_space<vmem>> -> memref<392xf32, #tpu.memory_space<vmem>>
      tpu.wait_dma2 semaphore(%run_scoped3A : memref<!tpu.dma_semaphore, #tpu.memory_space<semaphore_mem>>) src(%dma_wait3A_93 : memref<392xf32, #tpu.memory_space<vmem>>) dst(%dma_wait3A_91 : memref<392xf32, #tpu.memory_space<vmem_shared>>)
      tpu.yield
    }) : () -> ()
    %add3A_20 = arith.constant 2744 : i32
    %add3A_21 = arith.addi %mul3A_0, %add3A_20 : i32
    "tpu.region"() ({
      %run_scoped3A = tpu.sem_alloc : memref<!tpu.dma_semaphore, #tpu.memory_space<semaphore_mem>>
      %dma_start3A = arith.constant 0 : i32
      %dma_start3A_84 = tpu.memref_slice %arg8[%dma_start3A] : memref<1000xf32, #tpu.memory_space<vmem>> -> memref<392xf32, #tpu.memory_space<vmem>>
      %dma_start3A_85 = tpu.memref_slice %arg7[%add3A_21] : memref<100352xf32, #tpu.memory_space<vmem_shared>> -> memref<392xf32, #tpu.memory_space<vmem_shared>>
      %dma_start3A_86 = tpu.memref_slice %arg7[%add3A_21] : memref<100352xf32, #tpu.memory_space<vmem_shared>> -> memref<392xf32, #tpu.memory_space<vmem_shared>>
      %dma_start3A_87 = arith.constant 0 : i32
      %dma_start3A_88 = tpu.memref_slice %arg8[%dma_start3A_87] : memref<1000xf32, #tpu.memory_space<vmem>> -> memref<392xf32, #tpu.memory_space<vmem>>
      tpu.enqueue_dma source(%dma_start3A_88 : memref<392xf32, #tpu.memory_space<vmem>>) target(%dma_start3A_86 : memref<392xf32, #tpu.memory_space<vmem_shared>>) target_semaphore(%run_scoped3A : memref<!tpu.dma_semaphore, #tpu.memory_space<semaphore_mem>>)
      %dma_wait3A = arith.constant 0 : i32
      %dma_wait3A_89 = tpu.memref_slice %arg8[%dma_wait3A] : memref<1000xf32, #tpu.memory_space<vmem>> -> memref<392xf32, #tpu.memory_space<vmem>>
      %dma_wait3A_90 = tpu.memref_slice %arg7[%add3A_21] : memref<100352xf32, #tpu.memory_space<vmem_shared>> -> memref<392xf32, #tpu.memory_space<vmem_shared>>
      %dma_wait3A_91 = tpu.memref_slice %arg7[%add3A_21] : memref<100352xf32, #tpu.memory_space<vmem_shared>> -> memref<392xf32, #tpu.memory_space<vmem_shared>>
      %dma_wait3A_92 = arith.constant 0 : i32
      %dma_wait3A_93 = tpu.memref_slice %arg8[%dma_wait3A_92] : memref<1000xf32, #tpu.memory_space<vmem>> -> memref<392xf32, #tpu.memory_space<vmem>>
      tpu.wait_dma2 semaphore(%run_scoped3A : memref<!tpu.dma_semaphore, #tpu.memory_space<semaphore_mem>>) src(%dma_wait3A_93 : memref<392xf32, #tpu.memory_space<vmem>>) dst(%dma_wait3A_91 : memref<392xf32, #tpu.memory_space<vmem_shared>>)
      tpu.yield
    }) : () -> ()
    %add3A_22 = arith.constant 3136 : i32
    %add3A_23 = arith.addi %mul3A_0, %add3A_22 : i32
    "tpu.region"() ({
      %run_scoped3A = tpu.sem_alloc : memref<!tpu.dma_semaphore, #tpu.memory_space<semaphore_mem>>
      %dma_start3A = arith.constant 0 : i32
      %dma_start3A_84 = tpu.memref_slice %arg8[%dma_start3A] : memref<1000xf32, #tpu.memory_space<vmem>> -> memref<392xf32, #tpu.memory_space<vmem>>
      %dma_start3A_85 = tpu.memref_slice %arg7[%add3A_23] : memref<100352xf32, #tpu.memory_space<vmem_shared>> -> memref<392xf32, #tpu.memory_space<vmem_shared>>
      %dma_start3A_86 = tpu.memref_slice %arg7[%add3A_23] : memref<100352xf32, #tpu.memory_space<vmem_shared>> -> memref<392xf32, #tpu.memory_space<vmem_shared>>
      %dma_start3A_87 = arith.constant 0 : i32
      %dma_start3A_88 = tpu.memref_slice %arg8[%dma_start3A_87] : memref<1000xf32, #tpu.memory_space<vmem>> -> memref<392xf32, #tpu.memory_space<vmem>>
      tpu.enqueue_dma source(%dma_start3A_88 : memref<392xf32, #tpu.memory_space<vmem>>) target(%dma_start3A_86 : memref<392xf32, #tpu.memory_space<vmem_shared>>) target_semaphore(%run_scoped3A : memref<!tpu.dma_semaphore, #tpu.memory_space<semaphore_mem>>)
      %dma_wait3A = arith.constant 0 : i32
      %dma_wait3A_89 = tpu.memref_slice %arg8[%dma_wait3A] : memref<1000xf32, #tpu.memory_space<vmem>> -> memref<392xf32, #tpu.memory_space<vmem>>
      %dma_wait3A_90 = tpu.memref_slice %arg7[%add3A_23] : memref<100352xf32, #tpu.memory_space<vmem_shared>> -> memref<392xf32, #tpu.memory_space<vmem_shared>>
      %dma_wait3A_91 = tpu.memref_slice %arg7[%add3A_23] : memref<100352xf32, #tpu.memory_space<vmem_shared>> -> memref<392xf32, #tpu.memory_space<vmem_shared>>
      %dma_wait3A_92 = arith.constant 0 : i32
      %dma_wait3A_93 = tpu.memref_slice %arg8[%dma_wait3A_92] : memref<1000xf32, #tpu.memory_space<vmem>> -> memref<392xf32, #tpu.memory_space<vmem>>
      tpu.wait_dma2 semaphore(%run_scoped3A : memref<!tpu.dma_semaphore, #tpu.memory_space<semaphore_mem>>) src(%dma_wait3A_93 : memref<392xf32, #tpu.memory_space<vmem>>) dst(%dma_wait3A_91 : memref<392xf32, #tpu.memory_space<vmem_shared>>)
      tpu.yield
    }) : () -> ()
    %add3A_24 = arith.constant 3528 : i32
    %add3A_25 = arith.addi %mul3A_0, %add3A_24 : i32
    "tpu.region"() ({
      %run_scoped3A = tpu.sem_alloc : memref<!tpu.dma_semaphore, #tpu.memory_space<semaphore_mem>>
      %dma_start3A = arith.constant 0 : i32
      %dma_start3A_84 = tpu.memref_slice %arg8[%dma_start3A] : memref<1000xf32, #tpu.memory_space<vmem>> -> memref<392xf32, #tpu.memory_space<vmem>>
      %dma_start3A_85 = tpu.memref_slice %arg7[%add3A_25] : memref<100352xf32, #tpu.memory_space<vmem_shared>> -> memref<392xf32, #tpu.memory_space<vmem_shared>>
      %dma_start3A_86 = tpu.memref_slice %arg7[%add3A_25] : memref<100352xf32, #tpu.memory_space<vmem_shared>> -> memref<392xf32, #tpu.memory_space<vmem_shared>>
      %dma_start3A_87 = arith.constant 0 : i32
      %dma_start3A_88 = tpu.memref_slice %arg8[%dma_start3A_87] : memref<1000xf32, #tpu.memory_space<vmem>> -> memref<392xf32, #tpu.memory_space<vmem>>
      tpu.enqueue_dma source(%dma_start3A_88 : memref<392xf32, #tpu.memory_space<vmem>>) target(%dma_start3A_86 : memref<392xf32, #tpu.memory_space<vmem_shared>>) target_semaphore(%run_scoped3A : memref<!tpu.dma_semaphore, #tpu.memory_space<semaphore_mem>>)
      %dma_wait3A = arith.constant 0 : i32
      %dma_wait3A_89 = tpu.memref_slice %arg8[%dma_wait3A] : memref<1000xf32, #tpu.memory_space<vmem>> -> memref<392xf32, #tpu.memory_space<vmem>>
      %dma_wait3A_90 = tpu.memref_slice %arg7[%add3A_25] : memref<100352xf32, #tpu.memory_space<vmem_shared>> -> memref<392xf32, #tpu.memory_space<vmem_shared>>
      %dma_wait3A_91 = tpu.memref_slice %arg7[%add3A_25] : memref<100352xf32, #tpu.memory_space<vmem_shared>> -> memref<392xf32, #tpu.memory_space<vmem_shared>>
      %dma_wait3A_92 = arith.constant 0 : i32
      %dma_wait3A_93 = tpu.memref_slice %arg8[%dma_wait3A_92] : memref<1000xf32, #tpu.memory_space<vmem>> -> memref<392xf32, #tpu.memory_space<vmem>>
      tpu.wait_dma2 semaphore(%run_scoped3A : memref<!tpu.dma_semaphore, #tpu.memory_space<semaphore_mem>>) src(%dma_wait3A_93 : memref<392xf32, #tpu.memory_space<vmem>>) dst(%dma_wait3A_91 : memref<392xf32, #tpu.memory_space<vmem_shared>>)
      tpu.yield
    }) : () -> ()
    %add3A_26 = arith.constant 3920 : i32
    %add3A_27 = arith.addi %mul3A_0, %add3A_26 : i32
    "tpu.region"() ({
      %run_scoped3A = tpu.sem_alloc : memref<!tpu.dma_semaphore, #tpu.memory_space<semaphore_mem>>
      %dma_start3A = arith.constant 0 : i32
      %dma_start3A_84 = tpu.memref_slice %arg8[%dma_start3A] : memref<1000xf32, #tpu.memory_space<vmem>> -> memref<392xf32, #tpu.memory_space<vmem>>
      %dma_start3A_85 = tpu.memref_slice %arg7[%add3A_27] : memref<100352xf32, #tpu.memory_space<vmem_shared>> -> memref<392xf32, #tpu.memory_space<vmem_shared>>
      %dma_start3A_86 = tpu.memref_slice %arg7[%add3A_27] : memref<100352xf32, #tpu.memory_space<vmem_shared>> -> memref<392xf32, #tpu.memory_space<vmem_shared>>
      %dma_start3A_87 = arith.constant 0 : i32
      %dma_start3A_88 = tpu.memref_slice %arg8[%dma_start3A_87] : memref<1000xf32, #tpu.memory_space<vmem>> -> memref<392xf32, #tpu.memory_space<vmem>>
      tpu.enqueue_dma source(%dma_start3A_88 : memref<392xf32, #tpu.memory_space<vmem>>) target(%dma_start3A_86 : memref<392xf32, #tpu.memory_space<vmem_shared>>) target_semaphore(%run_scoped3A : memref<!tpu.dma_semaphore, #tpu.memory_space<semaphore_mem>>)
      %dma_wait3A = arith.constant 0 : i32
      %dma_wait3A_89 = tpu.memref_slice %arg8[%dma_wait3A] : memref<1000xf32, #tpu.memory_space<vmem>> -> memref<392xf32, #tpu.memory_space<vmem>>
      %dma_wait3A_90 = tpu.memref_slice %arg7[%add3A_27] : memref<100352xf32, #tpu.memory_space<vmem_shared>> -> memref<392xf32, #tpu.memory_space<vmem_shared>>
      %dma_wait3A_91 = tpu.memref_slice %arg7[%add3A_27] : memref<100352xf32, #tpu.memory_space<vmem_shared>> -> memref<392xf32, #tpu.memory_space<vmem_shared>>
      %dma_wait3A_92 = arith.constant 0 : i32
      %dma_wait3A_93 = tpu.memref_slice %arg8[%dma_wait3A_92] : memref<1000xf32, #tpu.memory_space<vmem>> -> memref<392xf32, #tpu.memory_space<vmem>>
      tpu.wait_dma2 semaphore(%run_scoped3A : memref<!tpu.dma_semaphore, #tpu.memory_space<semaphore_mem>>) src(%dma_wait3A_93 : memref<392xf32, #tpu.memory_space<vmem>>) dst(%dma_wait3A_91 : memref<392xf32, #tpu.memory_space<vmem_shared>>)
      tpu.yield
    }) : () -> ()
    %add3A_28 = arith.constant 4312 : i32
    %add3A_29 = arith.addi %mul3A_0, %add3A_28 : i32
    "tpu.region"() ({
      %run_scoped3A = tpu.sem_alloc : memref<!tpu.dma_semaphore, #tpu.memory_space<semaphore_mem>>
      %dma_start3A = arith.constant 0 : i32
      %dma_start3A_84 = tpu.memref_slice %arg8[%dma_start3A] : memref<1000xf32, #tpu.memory_space<vmem>> -> memref<392xf32, #tpu.memory_space<vmem>>
      %dma_start3A_85 = tpu.memref_slice %arg7[%add3A_29] : memref<100352xf32, #tpu.memory_space<vmem_shared>> -> memref<392xf32, #tpu.memory_space<vmem_shared>>
      %dma_start3A_86 = tpu.memref_slice %arg7[%add3A_29] : memref<100352xf32, #tpu.memory_space<vmem_shared>> -> memref<392xf32, #tpu.memory_space<vmem_shared>>
      %dma_start3A_87 = arith.constant 0 : i32
      %dma_start3A_88 = tpu.memref_slice %arg8[%dma_start3A_87] : memref<1000xf32, #tpu.memory_space<vmem>> -> memref<392xf32, #tpu.memory_space<vmem>>
      tpu.enqueue_dma source(%dma_start3A_88 : memref<392xf32, #tpu.memory_space<vmem>>) target(%dma_start3A_86 : memref<392xf32, #tpu.memory_space<vmem_shared>>) target_semaphore(%run_scoped3A : memref<!tpu.dma_semaphore, #tpu.memory_space<semaphore_mem>>)
      %dma_wait3A = arith.constant 0 : i32
      %dma_wait3A_89 = tpu.memref_slice %arg8[%dma_wait3A] : memref<1000xf32, #tpu.memory_space<vmem>> -> memref<392xf32, #tpu.memory_space<vmem>>
      %dma_wait3A_90 = tpu.memref_slice %arg7[%add3A_29] : memref<100352xf32, #tpu.memory_space<vmem_shared>> -> memref<392xf32, #tpu.memory_space<vmem_shared>>
      %dma_wait3A_91 = tpu.memref_slice %arg7[%add3A_29] : memref<100352xf32, #tpu.memory_space<vmem_shared>> -> memref<392xf32, #tpu.memory_space<vmem_shared>>
      %dma_wait3A_92 = arith.constant 0 : i32
      %dma_wait3A_93 = tpu.memref_slice %arg8[%dma_wait3A_92] : memref<1000xf32, #tpu.memory_space<vmem>> -> memref<392xf32, #tpu.memory_space<vmem>>
      tpu.wait_dma2 semaphore(%run_scoped3A : memref<!tpu.dma_semaphore, #tpu.memory_space<semaphore_mem>>) src(%dma_wait3A_93 : memref<392xf32, #tpu.memory_space<vmem>>) dst(%dma_wait3A_91 : memref<392xf32, #tpu.memory_space<vmem_shared>>)
      tpu.yield
    }) : () -> ()
    %add3A_30 = arith.constant 4704 : i32
    %add3A_31 = arith.addi %mul3A_0, %add3A_30 : i32
    "tpu.region"() ({
      %run_scoped3A = tpu.sem_alloc : memref<!tpu.dma_semaphore, #tpu.memory_space<semaphore_mem>>
      %dma_start3A = arith.constant 0 : i32
      %dma_start3A_84 = tpu.memref_slice %arg8[%dma_start3A] : memref<1000xf32, #tpu.memory_space<vmem>> -> memref<392xf32, #tpu.memory_space<vmem>>
      %dma_start3A_85 = tpu.memref_slice %arg7[%add3A_31] : memref<100352xf32, #tpu.memory_space<vmem_shared>> -> memref<392xf32, #tpu.memory_space<vmem_shared>>
      %dma_start3A_86 = tpu.memref_slice %arg7[%add3A_31] : memref<100352xf32, #tpu.memory_space<vmem_shared>> -> memref<392xf32, #tpu.memory_space<vmem_shared>>
      %dma_start3A_87 = arith.constant 0 : i32
      %dma_start3A_88 = tpu.memref_slice %arg8[%dma_start3A_87] : memref<1000xf32, #tpu.memory_space<vmem>> -> memref<392xf32, #tpu.memory_space<vmem>>
      tpu.enqueue_dma source(%dma_start3A_88 : memref<392xf32, #tpu.memory_space<vmem>>) target(%dma_start3A_86 : memref<392xf32, #tpu.memory_space<vmem_shared>>) target_semaphore(%run_scoped3A : memref<!tpu.dma_semaphore, #tpu.memory_space<semaphore_mem>>)
      %dma_wait3A = arith.constant 0 : i32
      %dma_wait3A_89 = tpu.memref_slice %arg8[%dma_wait3A] : memref<1000xf32, #tpu.memory_space<vmem>> -> memref<392xf32, #tpu.memory_space<vmem>>
      %dma_wait3A_90 = tpu.memref_slice %arg7[%add3A_31] : memref<100352xf32, #tpu.memory_space<vmem_shared>> -> memref<392xf32, #tpu.memory_space<vmem_shared>>
      %dma_wait3A_91 = tpu.memref_slice %arg7[%add3A_31] : memref<100352xf32, #tpu.memory_space<vmem_shared>> -> memref<392xf32, #tpu.memory_space<vmem_shared>>
      %dma_wait3A_92 = arith.constant 0 : i32
      %dma_wait3A_93 = tpu.memref_slice %arg8[%dma_wait3A_92] : memref<1000xf32, #tpu.memory_space<vmem>> -> memref<392xf32, #tpu.memory_space<vmem>>
      tpu.wait_dma2 semaphore(%run_scoped3A : memref<!tpu.dma_semaphore, #tpu.memory_space<semaphore_mem>>) src(%dma_wait3A_93 : memref<392xf32, #tpu.memory_space<vmem>>) dst(%dma_wait3A_91 : memref<392xf32, #tpu.memory_space<vmem_shared>>)
      tpu.yield
    }) : () -> ()
    %add3A_32 = arith.constant 5096 : i32
    %add3A_33 = arith.addi %mul3A_0, %add3A_32 : i32
    "tpu.region"() ({
      %run_scoped3A = tpu.sem_alloc : memref<!tpu.dma_semaphore, #tpu.memory_space<semaphore_mem>>
      %dma_start3A = arith.constant 0 : i32
      %dma_start3A_84 = tpu.memref_slice %arg8[%dma_start3A] : memref<1000xf32, #tpu.memory_space<vmem>> -> memref<392xf32, #tpu.memory_space<vmem>>
      %dma_start3A_85 = tpu.memref_slice %arg7[%add3A_33] : memref<100352xf32, #tpu.memory_space<vmem_shared>> -> memref<392xf32, #tpu.memory_space<vmem_shared>>
      %dma_start3A_86 = tpu.memref_slice %arg7[%add3A_33] : memref<100352xf32, #tpu.memory_space<vmem_shared>> -> memref<392xf32, #tpu.memory_space<vmem_shared>>
      %dma_start3A_87 = arith.constant 0 : i32
      %dma_start3A_88 = tpu.memref_slice %arg8[%dma_start3A_87] : memref<1000xf32, #tpu.memory_space<vmem>> -> memref<392xf32, #tpu.memory_space<vmem>>
      tpu.enqueue_dma source(%dma_start3A_88 : memref<392xf32, #tpu.memory_space<vmem>>) target(%dma_start3A_86 : memref<392xf32, #tpu.memory_space<vmem_shared>>) target_semaphore(%run_scoped3A : memref<!tpu.dma_semaphore, #tpu.memory_space<semaphore_mem>>)
      %dma_wait3A = arith.constant 0 : i32
      %dma_wait3A_89 = tpu.memref_slice %arg8[%dma_wait3A] : memref<1000xf32, #tpu.memory_space<vmem>> -> memref<392xf32, #tpu.memory_space<vmem>>
      %dma_wait3A_90 = tpu.memref_slice %arg7[%add3A_33] : memref<100352xf32, #tpu.memory_space<vmem_shared>> -> memref<392xf32, #tpu.memory_space<vmem_shared>>
      %dma_wait3A_91 = tpu.memref_slice %arg7[%add3A_33] : memref<100352xf32, #tpu.memory_space<vmem_shared>> -> memref<392xf32, #tpu.memory_space<vmem_shared>>
      %dma_wait3A_92 = arith.constant 0 : i32
      %dma_wait3A_93 = tpu.memref_slice %arg8[%dma_wait3A_92] : memref<1000xf32, #tpu.memory_space<vmem>> -> memref<392xf32, #tpu.memory_space<vmem>>
      tpu.wait_dma2 semaphore(%run_scoped3A : memref<!tpu.dma_semaphore, #tpu.memory_space<semaphore_mem>>) src(%dma_wait3A_93 : memref<392xf32, #tpu.memory_space<vmem>>) dst(%dma_wait3A_91 : memref<392xf32, #tpu.memory_space<vmem_shared>>)
      tpu.yield
    }) : () -> ()
    %add3A_34 = arith.constant 5488 : i32
    %add3A_35 = arith.addi %mul3A_0, %add3A_34 : i32
    "tpu.region"() ({
      %run_scoped3A = tpu.sem_alloc : memref<!tpu.dma_semaphore, #tpu.memory_space<semaphore_mem>>
      %dma_start3A = arith.constant 0 : i32
      %dma_start3A_84 = tpu.memref_slice %arg8[%dma_start3A] : memref<1000xf32, #tpu.memory_space<vmem>> -> memref<392xf32, #tpu.memory_space<vmem>>
      %dma_start3A_85 = tpu.memref_slice %arg7[%add3A_35] : memref<100352xf32, #tpu.memory_space<vmem_shared>> -> memref<392xf32, #tpu.memory_space<vmem_shared>>
      %dma_start3A_86 = tpu.memref_slice %arg7[%add3A_35] : memref<100352xf32, #tpu.memory_space<vmem_shared>> -> memref<392xf32, #tpu.memory_space<vmem_shared>>
      %dma_start3A_87 = arith.constant 0 : i32
      %dma_start3A_88 = tpu.memref_slice %arg8[%dma_start3A_87] : memref<1000xf32, #tpu.memory_space<vmem>> -> memref<392xf32, #tpu.memory_space<vmem>>
      tpu.enqueue_dma source(%dma_start3A_88 : memref<392xf32, #tpu.memory_space<vmem>>) target(%dma_start3A_86 : memref<392xf32, #tpu.memory_space<vmem_shared>>) target_semaphore(%run_scoped3A : memref<!tpu.dma_semaphore, #tpu.memory_space<semaphore_mem>>)
      %dma_wait3A = arith.constant 0 : i32
      %dma_wait3A_89 = tpu.memref_slice %arg8[%dma_wait3A] : memref<1000xf32, #tpu.memory_space<vmem>> -> memref<392xf32, #tpu.memory_space<vmem>>
      %dma_wait3A_90 = tpu.memref_slice %arg7[%add3A_35] : memref<100352xf32, #tpu.memory_space<vmem_shared>> -> memref<392xf32, #tpu.memory_space<vmem_shared>>
      %dma_wait3A_91 = tpu.memref_slice %arg7[%add3A_35] : memref<100352xf32, #tpu.memory_space<vmem_shared>> -> memref<392xf32, #tpu.memory_space<vmem_shared>>
      %dma_wait3A_92 = arith.constant 0 : i32
      %dma_wait3A_93 = tpu.memref_slice %arg8[%dma_wait3A_92] : memref<1000xf32, #tpu.memory_space<vmem>> -> memref<392xf32, #tpu.memory_space<vmem>>
      tpu.wait_dma2 semaphore(%run_scoped3A : memref<!tpu.dma_semaphore, #tpu.memory_space<semaphore_mem>>) src(%dma_wait3A_93 : memref<392xf32, #tpu.memory_space<vmem>>) dst(%dma_wait3A_91 : memref<392xf32, #tpu.memory_space<vmem_shared>>)
      tpu.yield
    }) : () -> ()
    %add3A_36 = arith.constant 5880 : i32
    %add3A_37 = arith.addi %mul3A_0, %add3A_36 : i32
    "tpu.region"() ({
      %run_scoped3A = tpu.sem_alloc : memref<!tpu.dma_semaphore, #tpu.memory_space<semaphore_mem>>
      %dma_start3A = arith.constant 0 : i32
      %dma_start3A_84 = tpu.memref_slice %arg8[%dma_start3A] : memref<1000xf32, #tpu.memory_space<vmem>> -> memref<392xf32, #tpu.memory_space<vmem>>
      %dma_start3A_85 = tpu.memref_slice %arg7[%add3A_37] : memref<100352xf32, #tpu.memory_space<vmem_shared>> -> memref<392xf32, #tpu.memory_space<vmem_shared>>
      %dma_start3A_86 = tpu.memref_slice %arg7[%add3A_37] : memref<100352xf32, #tpu.memory_space<vmem_shared>> -> memref<392xf32, #tpu.memory_space<vmem_shared>>
      %dma_start3A_87 = arith.constant 0 : i32
      %dma_start3A_88 = tpu.memref_slice %arg8[%dma_start3A_87] : memref<1000xf32, #tpu.memory_space<vmem>> -> memref<392xf32, #tpu.memory_space<vmem>>
      tpu.enqueue_dma source(%dma_start3A_88 : memref<392xf32, #tpu.memory_space<vmem>>) target(%dma_start3A_86 : memref<392xf32, #tpu.memory_space<vmem_shared>>) target_semaphore(%run_scoped3A : memref<!tpu.dma_semaphore, #tpu.memory_space<semaphore_mem>>)
      %dma_wait3A = arith.constant 0 : i32
      %dma_wait3A_89 = tpu.memref_slice %arg8[%dma_wait3A] : memref<1000xf32, #tpu.memory_space<vmem>> -> memref<392xf32, #tpu.memory_space<vmem>>
      %dma_wait3A_90 = tpu.memref_slice %arg7[%add3A_37] : memref<100352xf32, #tpu.memory_space<vmem_shared>> -> memref<392xf32, #tpu.memory_space<vmem_shared>>
      %dma_wait3A_91 = tpu.memref_slice %arg7[%add3A_37] : memref<100352xf32, #tpu.memory_space<vmem_shared>> -> memref<392xf32, #tpu.memory_space<vmem_shared>>
      %dma_wait3A_92 = arith.constant 0 : i32
      %dma_wait3A_93 = tpu.memref_slice %arg8[%dma_wait3A_92] : memref<1000xf32, #tpu.memory_space<vmem>> -> memref<392xf32, #tpu.memory_space<vmem>>
      tpu.wait_dma2 semaphore(%run_scoped3A : memref<!tpu.dma_semaphore, #tpu.memory_space<semaphore_mem>>) src(%dma_wait3A_93 : memref<392xf32, #tpu.memory_space<vmem>>) dst(%dma_wait3A_91 : memref<392xf32, #tpu.memory_space<vmem_shared>>)
      tpu.yield
    }) : () -> ()
    %barrier3A = arith.constant 0 : index
    tpu.barrier barrier_id(%barrier3A)
    %scan3A_38 = arith.constant 0 : i32
    %scan3A_39 = arith.constant 0 : i32
    %scan3A_40 = arith.constant 100 : i32
    %scan3A_41 = arith.addi %scan3A_39, %scan3A_40 : i32
    %scan3A_42 = arith.constant 1 : i32
    scf.for %scan3A_84 = %scan3A_39 to %scan3A_41 step %scan3A_42  : i32 {
      %mul3A_85 = arith.constant 100000 : i32
      %mul3A_86 = arith.muli %arg1, %mul3A_85 : i32
      %mul3A_87 = arith.constant 1000 : i32
      %mul3A_88 = arith.muli %scan3A_84, %mul3A_87 : i32
      %add3A_89 = arith.addi %mul3A_86, %mul3A_88 : i32
      %run_scoped3A = arith.constant 1 : i32
      "tpu.region"() ({
        %run_scoped3A_90 = tpu.sem_alloc : memref<!tpu.dma_semaphore, #tpu.memory_space<semaphore_mem>>
        %dma_start3A = tpu.memref_slice %arg3[%run_scoped3A, %add3A_89] : memref<2x1600000xi32, #tpu.memory_space<hbm>> -> memref<1x1000xi32, #tpu.memory_space<hbm>>
        %dma_start3A_91 = tpu.memref_squeeze %dma_start3A : memref<1x1000xi32, #tpu.memory_space<hbm>> -> memref<1000xi32, #tpu.memory_space<hbm>>
        %dma_start3A_92 = tpu.memref_slice %arg3[%run_scoped3A, %add3A_89] : memref<2x1600000xi32, #tpu.memory_space<hbm>> -> memref<1x1000xi32, #tpu.memory_space<hbm>>
        %dma_start3A_93 = tpu.memref_squeeze %dma_start3A_92 : memref<1x1000xi32, #tpu.memory_space<hbm>> -> memref<1000xi32, #tpu.memory_space<hbm>>
        tpu.enqueue_dma source(%dma_start3A_93 : memref<1000xi32, #tpu.memory_space<hbm>>) target(%arg14 : memref<1000xi32, #tpu.memory_space<vmem>>) target_semaphore(%run_scoped3A_90 : memref<!tpu.dma_semaphore, #tpu.memory_space<semaphore_mem>>)
        %dma_wait3A = tpu.memref_slice %arg3[%run_scoped3A, %add3A_89] : memref<2x1600000xi32, #tpu.memory_space<hbm>> -> memref<1x1000xi32, #tpu.memory_space<hbm>>
        %dma_wait3A_94 = tpu.memref_squeeze %dma_wait3A : memref<1x1000xi32, #tpu.memory_space<hbm>> -> memref<1000xi32, #tpu.memory_space<hbm>>
        %dma_wait3A_95 = tpu.memref_slice %arg3[%run_scoped3A, %add3A_89] : memref<2x1600000xi32, #tpu.memory_space<hbm>> -> memref<1x1000xi32, #tpu.memory_space<hbm>>
        %dma_wait3A_96 = tpu.memref_squeeze %dma_wait3A_95 : memref<1x1000xi32, #tpu.memory_space<hbm>> -> memref<1000xi32, #tpu.memory_space<hbm>>
        tpu.wait_dma2 semaphore(%run_scoped3A_90 : memref<!tpu.dma_semaphore, #tpu.memory_space<semaphore_mem>>) src(%dma_wait3A_96 : memref<1000xi32, #tpu.memory_space<hbm>>) dst(%arg14 : memref<1000xi32, #tpu.memory_space<vmem>>)
        tpu.yield
      }) : () -> ()
      "tpu.region"() ({
        %run_scoped3A_90 = tpu.sem_alloc : memref<!tpu.dma_semaphore, #tpu.memory_space<semaphore_mem>>
        %dma_start3A = arith.constant 0 : i32
        %dma_start3A_91 = tpu.memref_slice %arg8[%dma_start3A] : memref<1000xf32, #tpu.memory_space<vmem>> -> memref<1000xf32, #tpu.memory_space<vmem>>
        %dma_start3A_92 = arith.constant 0 : i32
        %dma_start3A_93 = tpu.memref_slice %arg7[%dma_start3A_92] : memref<100352xf32, #tpu.memory_space<vmem_shared>> -> memref<100352xf32, #tpu.memory_space<vmem_shared>>
        tpu.enqueue_indirect_dma source(%dma_start3A_91 : memref<1000xf32, #tpu.memory_space<vmem>>) target(%dma_start3A_93 : memref<100352xf32, #tpu.memory_space<vmem_shared>>) offsets(%arg14 : memref<1000xi32, #tpu.memory_space<vmem>>) semaphore(%run_scoped3A_90 : memref<!tpu.dma_semaphore, #tpu.memory_space<semaphore_mem>>) {add = true}
        %dma_wait3A = arith.constant 0 : i32
        %dma_wait3A_94 = tpu.memref_slice %arg8[%dma_wait3A] : memref<1000xf32, #tpu.memory_space<vmem>> -> memref<1000xf32, #tpu.memory_space<vmem>>
        %dma_wait3A_95 = arith.constant 0 : i32
        %dma_wait3A_96 = tpu.memref_slice %arg7[%dma_wait3A_95] : memref<100352xf32, #tpu.memory_space<vmem_shared>> -> memref<100352xf32, #tpu.memory_space<vmem_shared>>
        tpu.wait_indirect_dma semaphore(%run_scoped3A_90 : memref<!tpu.dma_semaphore, #tpu.memory_space<semaphore_mem>>) src(%dma_wait3A_94 : memref<1000xf32, #tpu.memory_space<vmem>>) dst(%dma_wait3A_96 : memref<100352xf32, #tpu.memory_space<vmem_shared>>)
        tpu.yield
      }) : () -> ()
    }
    %scan3A_43 = arith.constant 100 : i32
    %barrier3A_44 = arith.constant 0 : index
    tpu.barrier barrier_id(%barrier3A_44)
    "tpu.region"() ({
      %run_scoped3A = tpu.sem_alloc : memref<!tpu.dma_semaphore, #tpu.memory_space<semaphore_mem>>
      %dma_start3A = tpu.memref_slice %arg7[%mul3A_0] : memref<100352xf32, #tpu.memory_space<vmem_shared>> -> memref<6272xf32, #tpu.memory_space<vmem_shared>>
      %dma_start3A_84 = tpu.memref_slice %arg7[%mul3A_0] : memref<100352xf32, #tpu.memory_space<vmem_shared>> -> memref<6272xf32, #tpu.memory_space<vmem_shared>>
      tpu.enqueue_dma source(%dma_start3A_84 : memref<6272xf32, #tpu.memory_space<vmem_shared>>) target(%arg9 : memref<6272xf32, #tpu.memory_space<vmem>>) target_semaphore(%run_scoped3A : memref<!tpu.dma_semaphore, #tpu.memory_space<semaphore_mem>>)
      %dma_wait3A = tpu.memref_slice %arg7[%mul3A_0] : memref<100352xf32, #tpu.memory_space<vmem_shared>> -> memref<6272xf32, #tpu.memory_space<vmem_shared>>
      %dma_wait3A_85 = tpu.memref_slice %arg7[%mul3A_0] : memref<100352xf32, #tpu.memory_space<vmem_shared>> -> memref<6272xf32, #tpu.memory_space<vmem_shared>>
      tpu.wait_dma2 semaphore(%run_scoped3A : memref<!tpu.dma_semaphore, #tpu.memory_space<semaphore_mem>>) src(%dma_wait3A_85 : memref<6272xf32, #tpu.memory_space<vmem_shared>>) dst(%arg9 : memref<6272xf32, #tpu.memory_space<vmem>>)
      tpu.yield
    }) : () -> ()
    %broadcast_in_dim3A_45 = arith.constant 1597463007 : i32
    %broadcast_in_dim3A_46 = vector.broadcast %broadcast_in_dim3A_45 : i32 to vector<16xi32>
    %scan3A_47 = arith.constant 0 : i32
    %scan3A_48 = arith.constant 0 : i32
    %scan3A_49 = arith.constant 392 : i32
    %scan3A_50 = arith.addi %scan3A_48, %scan3A_49 : i32
    %scan3A_51 = arith.constant 1 : i32
    scf.for %scan3A_84 = %scan3A_48 to %scan3A_50 step %scan3A_51  : i32 {
      %mul3A_85 = arith.constant 16 : i32
      %mul3A_86 = arith.muli %scan3A_84, %mul3A_85 : i32
      %get3A = arith.index_cast %mul3A_86 : i32 to index
      %get3A_87 = tpu.vector_load %arg9[%get3A] {strides = array<i32>} : memref<6272xf32, #tpu.memory_space<vmem>>, vector<16xf32>,
      %bitcast3A = vector.bitcast %get3A_87 : vector<16xf32> to vector<16xi32>
      %shift_right_arithmetic3A_88 = arith.constant 1 : i32
      %shift_right_arithmetic3A_89 = vector.broadcast %shift_right_arithmetic3A_88 : i32 to vector<16xi32>
      %shift_right_arithmetic3A_90 = arith.shrsi %bitcast3A, %shift_right_arithmetic3A_89 : vector<16xi32>
      %sub3A = arith.subi %broadcast_in_dim3A_46, %shift_right_arithmetic3A_90 : vector<16xi32>
      %bitcast3A_91 = vector.bitcast %sub3A : vector<16xi32> to vector<16xf32>
      %mul3A_92 = arith.constant 5.000000e-01 : f32
      %mul3A_93 = vector.broadcast %mul3A_92 : f32 to vector<16xf32>
      %mul3A_94 = arith.mulf %mul3A_93, %get3A_87 : vector<16xf32>
      %mul3A_95 = arith.mulf %mul3A_94, %bitcast3A_91 : vector<16xf32>
      %mul3A_96 = arith.mulf %mul3A_95, %bitcast3A_91 : vector<16xf32>
      %sub3A_97 = arith.constant 1.500000e+00 : f32
      %sub3A_98 = vector.broadcast %sub3A_97 : f32 to vector<16xf32>
      %sub3A_99 = arith.subf %sub3A_98, %mul3A_96 : vector<16xf32>
      %mul3A_100 = arith.mulf %bitcast3A_91, %sub3A_99 : vector<16xf32>
      %mul3A_101 = arith.constant 5.000000e-01 : f32
      %mul3A_102 = vector.broadcast %mul3A_101 : f32 to vector<16xf32>
      %mul3A_103 = arith.mulf %mul3A_102, %get3A_87 : vector<16xf32>
      %mul3A_104 = arith.mulf %mul3A_103, %mul3A_100 : vector<16xf32>
      %mul3A_105 = arith.mulf %mul3A_104, %mul3A_100 : vector<16xf32>
      %sub3A_106 = arith.constant 1.500000e+00 : f32
      %sub3A_107 = vector.broadcast %sub3A_106 : f32 to vector<16xf32>
      %sub3A_108 = arith.subf %sub3A_107, %mul3A_105 : vector<16xf32>
      %mul3A_109 = arith.mulf %mul3A_100, %sub3A_108 : vector<16xf32>
      %mul3A_110 = arith.constant 5.000000e-01 : f32
      %mul3A_111 = vector.broadcast %mul3A_110 : f32 to vector<16xf32>
      %mul3A_112 = arith.mulf %mul3A_111, %get3A_87 : vector<16xf32>
      %mul3A_113 = arith.mulf %mul3A_112, %mul3A_109 : vector<16xf32>
      %mul3A_114 = arith.mulf %mul3A_113, %mul3A_109 : vector<16xf32>
      %sub3A_115 = arith.constant 1.500000e+00 : f32
      %sub3A_116 = vector.broadcast %sub3A_115 : f32 to vector<16xf32>
      %sub3A_117 = arith.subf %sub3A_116, %mul3A_114 : vector<16xf32>
      %mul3A_118 = arith.mulf %mul3A_109, %sub3A_117 : vector<16xf32>
      %mul3A_119 = arith.constant 16 : i32
      %mul3A_120 = arith.muli %scan3A_84, %mul3A_119 : i32
      %swap3A = arith.index_cast %mul3A_120 : i32 to index
      %swap3A_121 = tpu.vector_load %arg9[%swap3A] {strides = array<i32>} : memref<6272xf32, #tpu.memory_space<vmem>>, vector<16xf32>,
      tpu.vector_store %arg9[%swap3A], %mul3A_118 {strides = array<i32>} : memref<6272xf32, #tpu.memory_space<vmem>>, vector<16xf32>,
    }
    %scan3A_52 = arith.constant 392 : i32
    %broadcast_in_dim3A_53 = arith.constant 0.000000e+00 : f32
    %broadcast_in_dim3A_54 = vector.broadcast %broadcast_in_dim3A_53 : f32 to vector<16xf32>
    %shift_right_arithmetic3A = arith.constant 3 : i32
    %shift_right_arithmetic3A_55 = vector.broadcast %shift_right_arithmetic3A : i32 to vector<16xi32>
    %shift_right_arithmetic3A_56 = arith.shrsi %iota3A, %shift_right_arithmetic3A_55 : vector<16xi32>
    %and3A = arith.constant 7 : i32
    %and3A_57 = vector.broadcast %and3A : i32 to vector<16xi32>
    %and3A_58 = arith.andi %iota3A, %and3A_57 : vector<16xi32>
    %scan3A_59 = arith.constant 0 : i32
    %scan3A_60 = arith.constant 0 : i32
    %scan3A_61 = arith.constant 16 : i32
    %scan3A_62 = arith.addi %scan3A_60, %scan3A_61 : i32
    %scan3A_63 = arith.constant 1 : i32
    scf.for %scan3A_84 = %scan3A_60 to %scan3A_62 step %scan3A_63  : i32 {
      %mul3A_85 = arith.constant 392 : i32
      %mul3A_86 = arith.muli %scan3A_84, %mul3A_85 : i32
      %add3A_87 = arith.addi %mul3A_0, %mul3A_86 : i32
      %mul3A_88 = arith.constant 392 : i32
      %mul3A_89 = arith.muli %scan3A_84, %mul3A_88 : i32
      %add3A_90 = arith.constant 392 : i32
      %add3A_91 = arith.addi %add3A_87, %add3A_90 : i32
      %le3A = arith.constant 100000 : i32
      %le3A_92 = arith.cmpi sle, %add3A_91, %le3A : i32
      %convert_element_type3A_93 = arith.extui %le3A_92 : i1 to i32
      %cond3A_94 = arith.constant 0 : i32
      %cond3A_95 = arith.cmpi ne, %convert_element_type3A_93, %cond3A_94 : i32
      scf.if %cond3A_95 {
        %mul3A_113 = arith.constant 6 : i32
        %mul3A_114 = arith.muli %add3A_87, %mul3A_113 : i32
        "tpu.region"() ({
          %run_scoped3A = tpu.sem_alloc : memref<!tpu.dma_semaphore, #tpu.memory_space<semaphore_mem>>
          %dma_start3A = tpu.memref_slice %arg2[%mul3A_114] : memref<600000xf32, #tpu.memory_space<hbm>> -> memref<2352xf32, #tpu.memory_space<hbm>>
          %dma_start3A_115 = tpu.memref_slice %arg2[%mul3A_114] : memref<600000xf32, #tpu.memory_space<hbm>> -> memref<2352xf32, #tpu.memory_space<hbm>>
          tpu.enqueue_dma source(%dma_start3A_115 : memref<2352xf32, #tpu.memory_space<hbm>>) target(%arg10 : memref<2352xf32, #tpu.memory_space<vmem>>) target_semaphore(%run_scoped3A : memref<!tpu.dma_semaphore, #tpu.memory_space<semaphore_mem>>)
          %dma_wait3A = tpu.memref_slice %arg2[%mul3A_114] : memref<600000xf32, #tpu.memory_space<hbm>> -> memref<2352xf32, #tpu.memory_space<hbm>>
          %dma_wait3A_116 = tpu.memref_slice %arg2[%mul3A_114] : memref<600000xf32, #tpu.memory_space<hbm>> -> memref<2352xf32, #tpu.memory_space<hbm>>
          tpu.wait_dma2 semaphore(%run_scoped3A : memref<!tpu.dma_semaphore, #tpu.memory_space<semaphore_mem>>) src(%dma_wait3A_116 : memref<2352xf32, #tpu.memory_space<hbm>>) dst(%arg10 : memref<2352xf32, #tpu.memory_space<vmem>>)
          tpu.yield
        }) : () -> ()
      } else {
      }
      %add3A_96 = arith.constant 392 : i32
      %add3A_97 = arith.addi %add3A_87, %add3A_96 : i32
      %gt3A = arith.constant 100000 : i32
      %gt3A_98 = arith.cmpi sgt, %add3A_97, %gt3A : i32
      %convert_element_type3A_99 = arith.extui %gt3A_98 : i1 to i32
      %cond3A_100 = arith.constant 0 : i32
      %cond3A_101 = arith.cmpi ne, %convert_element_type3A_99, %cond3A_100 : i32
      scf.if %cond3A_101 {
        %scan3A_113 = arith.constant 0 : i32
        %scan3A_114 = arith.constant 0 : i32
        %scan3A_115 = arith.constant 147 : i32
        %scan3A_116 = arith.addi %scan3A_114, %scan3A_115 : i32
        %scan3A_117 = arith.constant 1 : i32
        scf.for %scan3A_119 = %scan3A_114 to %scan3A_116 step %scan3A_117  : i32 {
          %mul3A_120 = arith.constant 16 : i32
          %mul3A_121 = arith.muli %scan3A_119, %mul3A_120 : i32
          %add3A_122 = vector.broadcast %mul3A_121 : i32 to vector<16xi32>
          %add3A_123 = arith.addi %add3A_122, %iota3A : vector<16xi32>
          tpu.vector_store_idx %arg10[%add3A_123], %broadcast_in_dim3A_54 : memref<2352xf32, #tpu.memory_space<vmem>>[vector<16xi32>], vector<16xf32>,
        }
        %scan3A_118 = arith.constant 147 : i32
        "tpu.region"() ({
          %run_scoped3A = tpu.sem_alloc : memref<!tpu.dma_semaphore, #tpu.memory_space<semaphore_mem>>
          %dma_start3A = arith.constant 0 : i32
          %dma_start3A_119 = tpu.memref_slice %arg10[%dma_start3A] : memref<2352xf32, #tpu.memory_space<vmem>> -> memref<240xf32, #tpu.memory_space<vmem>>
          %dma_start3A_120 = arith.constant 599760 : i32
          %dma_start3A_121 = tpu.memref_slice %arg2[%dma_start3A_120] : memref<600000xf32, #tpu.memory_space<hbm>> -> memref<240xf32, #tpu.memory_space<hbm>>
          %dma_start3A_122 = arith.constant 0 : i32
          %dma_start3A_123 = tpu.memref_slice %arg10[%dma_start3A_122] : memref<2352xf32, #tpu.memory_space<vmem>> -> memref<240xf32, #tpu.memory_space<vmem>>
          %dma_start3A_124 = arith.constant 599760 : i32
          %dma_start3A_125 = tpu.memref_slice %arg2[%dma_start3A_124] : memref<600000xf32, #tpu.memory_space<hbm>> -> memref<240xf32, #tpu.memory_space<hbm>>
          tpu.enqueue_dma source(%dma_start3A_125 : memref<240xf32, #tpu.memory_space<hbm>>) target(%dma_start3A_123 : memref<240xf32, #tpu.memory_space<vmem>>) target_semaphore(%run_scoped3A : memref<!tpu.dma_semaphore, #tpu.memory_space<semaphore_mem>>)
          %dma_wait3A = arith.constant 0 : i32
          %dma_wait3A_126 = tpu.memref_slice %arg10[%dma_wait3A] : memref<2352xf32, #tpu.memory_space<vmem>> -> memref<240xf32, #tpu.memory_space<vmem>>
          %dma_wait3A_127 = arith.constant 599760 : i32
          %dma_wait3A_128 = tpu.memref_slice %arg2[%dma_wait3A_127] : memref<600000xf32, #tpu.memory_space<hbm>> -> memref<240xf32, #tpu.memory_space<hbm>>
          %dma_wait3A_129 = arith.constant 0 : i32
          %dma_wait3A_130 = tpu.memref_slice %arg10[%dma_wait3A_129] : memref<2352xf32, #tpu.memory_space<vmem>> -> memref<240xf32, #tpu.memory_space<vmem>>
          %dma_wait3A_131 = arith.constant 599760 : i32
          %dma_wait3A_132 = tpu.memref_slice %arg2[%dma_wait3A_131] : memref<600000xf32, #tpu.memory_space<hbm>> -> memref<240xf32, #tpu.memory_space<hbm>>
          tpu.wait_dma2 semaphore(%run_scoped3A : memref<!tpu.dma_semaphore, #tpu.memory_space<semaphore_mem>>) src(%dma_wait3A_132 : memref<240xf32, #tpu.memory_space<hbm>>) dst(%dma_wait3A_130 : memref<240xf32, #tpu.memory_space<vmem>>)
          tpu.yield
        }) : () -> ()
      } else {
      }
      %scan3A_102 = arith.constant 0 : i32
      %scan3A_103 = arith.constant 0 : i32
      %scan3A_104 = arith.constant 196 : i32
      %scan3A_105 = arith.addi %scan3A_103, %scan3A_104 : i32
      %scan3A_106 = arith.constant 1 : i32
      scf.for %scan3A_113 = %scan3A_103 to %scan3A_105 step %scan3A_106  : i32 {
        %mul3A_114 = arith.constant 2 : i32
        %mul3A_115 = arith.muli %mul3A_114, %scan3A_113 : i32
        %add3A_116 = vector.broadcast %mul3A_115 : i32 to vector<16xi32>
        %add3A_117 = arith.addi %shift_right_arithmetic3A_56, %add3A_116 : vector<16xi32>
        %add3A_118 = vector.broadcast %mul3A_89 : i32 to vector<16xi32>
        %add3A_119 = arith.addi %add3A_118, %add3A_117 : vector<16xi32>
        %gather3A = tpu.vector_load_idx %arg9[%add3A_119] : memref<6272xf32, #tpu.memory_space<vmem>>[vector<16xi32>], vector<16xf32>,
        %mul3A_120 = arith.constant 6 : i32
        %mul3A_121 = vector.broadcast %mul3A_120 : i32 to vector<16xi32>
        %mul3A_122 = arith.muli %add3A_117, %mul3A_121 : vector<16xi32>
        %min3A = arith.constant 5 : i32
        %min3A_123 = vector.broadcast %min3A : i32 to vector<16xi32>
        %min3A_124 = arith.minsi %and3A_58, %min3A_123 : vector<16xi32>
        %add3A_125 = arith.addi %mul3A_122, %min3A_124 : vector<16xi32>
        %gather3A_126 = tpu.vector_load_idx %arg10[%add3A_125] : memref<2352xf32, #tpu.memory_space<vmem>>[vector<16xi32>], vector<16xf32>,
        %lt3A = arith.constant 6 : i32
        %lt3A_127 = vector.broadcast %lt3A : i32 to vector<16xi32>
        %lt3A_128 = arith.cmpi slt, %and3A_58, %lt3A_127 : vector<16xi32>
        %mul3A_129 = arith.mulf %gather3A_126, %gather3A : vector<16xf32>
        %jit3A = arith.constant 0.000000e+00 : f32
        %broadcast_in_dim3A_130 = vector.broadcast %jit3A : f32 to vector<16xf32>
        %select_n3A = arith.select %lt3A_128, %mul3A_129, %broadcast_in_dim3A_130 : vector<16xi1>, vector<16xf32>
        tpu.vector_store_idx %arg11[%add3A_117, %and3A_58], %select_n3A : memref<392x8xf32, #tpu.memory_space<vmem>>[vector<16xi32>, vector<16xi32>], vector<16xf32>,
      }
      %scan3A_107 = arith.constant 196 : i32
      "tpu.region"() ({
        %run_scoped3A = tpu.sem_alloc : memref<!tpu.dma_semaphore, #tpu.memory_space<semaphore_mem>>
        %dma_start3A = arith.constant 0 : i32
        %dma_start3A_113 = tpu.memref_slice %arg5[%add3A_87, %dma_start3A] : memref<100352x8xf32, #tpu.memory_space<vmem_shared>> -> memref<392x8xf32, #tpu.memory_space<vmem_shared>>
        %dma_start3A_114 = arith.constant 0 : i32
        %dma_start3A_115 = tpu.memref_slice %arg5[%add3A_87, %dma_start3A_114] : memref<100352x8xf32, #tpu.memory_space<vmem_shared>> -> memref<392x8xf32, #tpu.memory_space<vmem_shared>>
        tpu.enqueue_dma source(%arg11 : memref<392x8xf32, #tpu.memory_space<vmem>>) target(%dma_start3A_115 : memref<392x8xf32, #tpu.memory_space<vmem_shared>>) target_semaphore(%run_scoped3A : memref<!tpu.dma_semaphore, #tpu.memory_space<semaphore_mem>>)
        %dma_wait3A = arith.constant 0 : i32
        %dma_wait3A_116 = tpu.memref_slice %arg5[%add3A_87, %dma_wait3A] : memref<100352x8xf32, #tpu.memory_space<vmem_shared>> -> memref<392x8xf32, #tpu.memory_space<vmem_shared>>
        %dma_wait3A_117 = arith.constant 0 : i32
        %dma_wait3A_118 = tpu.memref_slice %arg5[%add3A_87, %dma_wait3A_117] : memref<100352x8xf32, #tpu.memory_space<vmem_shared>> -> memref<392x8xf32, #tpu.memory_space<vmem_shared>>
        tpu.wait_dma2 semaphore(%run_scoped3A : memref<!tpu.dma_semaphore, #tpu.memory_space<semaphore_mem>>) src(%arg11 : memref<392x8xf32, #tpu.memory_space<vmem>>) dst(%dma_wait3A_118 : memref<392x8xf32, #tpu.memory_space<vmem_shared>>)
        tpu.yield
      }) : () -> ()
      %eq3A_108 = arith.constant 0 : i32
      %eq3A_109 = arith.cmpi eq, %arg0, %eq3A_108 : i32
      %convert_element_type3A_110 = arith.extui %eq3A_109 : i1 to i32
      %cond3A_111 = arith.constant 0 : i32
      %cond3A_112 = arith.cmpi ne, %convert_element_type3A_110, %cond3A_111 : i32
      scf.if %cond3A_112 {
        "tpu.region"() ({
          %run_scoped3A = tpu.sem_alloc : memref<!tpu.dma_semaphore, #tpu.memory_space<semaphore_mem>>
          %dma_start3A = arith.constant 0 : i32
          %dma_start3A_113 = tpu.memref_slice %arg6[%add3A_87, %dma_start3A] : memref<100352x8xf32, #tpu.memory_space<vmem_shared>> -> memref<392x8xf32, #tpu.memory_space<vmem_shared>>
          %dma_start3A_114 = arith.constant 0 : i32
          %dma_start3A_115 = tpu.memref_slice %arg6[%add3A_87, %dma_start3A_114] : memref<100352x8xf32, #tpu.memory_space<vmem_shared>> -> memref<392x8xf32, #tpu.memory_space<vmem_shared>>
          tpu.enqueue_dma source(%arg11 : memref<392x8xf32, #tpu.memory_space<vmem>>) target(%dma_start3A_115 : memref<392x8xf32, #tpu.memory_space<vmem_shared>>) target_semaphore(%run_scoped3A : memref<!tpu.dma_semaphore, #tpu.memory_space<semaphore_mem>>)
          %dma_wait3A = arith.constant 0 : i32
          %dma_wait3A_116 = tpu.memref_slice %arg6[%add3A_87, %dma_wait3A] : memref<100352x8xf32, #tpu.memory_space<vmem_shared>> -> memref<392x8xf32, #tpu.memory_space<vmem_shared>>
          %dma_wait3A_117 = arith.constant 0 : i32
          %dma_wait3A_118 = tpu.memref_slice %arg6[%add3A_87, %dma_wait3A_117] : memref<100352x8xf32, #tpu.memory_space<vmem_shared>> -> memref<392x8xf32, #tpu.memory_space<vmem_shared>>
          tpu.wait_dma2 semaphore(%run_scoped3A : memref<!tpu.dma_semaphore, #tpu.memory_space<semaphore_mem>>) src(%arg11 : memref<392x8xf32, #tpu.memory_space<vmem>>) dst(%dma_wait3A_118 : memref<392x8xf32, #tpu.memory_space<vmem_shared>>)
          tpu.yield
        }) : () -> ()
      } else {
      }
    }
    %scan3A_64 = arith.constant 16 : i32
    %eq3A = arith.constant 1 : i32
    %eq3A_65 = arith.cmpi eq, %arg0, %eq3A : i32
    %convert_element_type3A = arith.extui %eq3A_65 : i1 to i32
    %cond3A = arith.constant 0 : i32
    %cond3A_66 = arith.cmpi ne, %convert_element_type3A, %cond3A : i32
    scf.if %cond3A_66 {
      %scan3A_84 = arith.constant 0 : i32
      %scan3A_85 = arith.constant 0 : i32
      %scan3A_86 = arith.constant 196 : i32
      %scan3A_87 = arith.addi %scan3A_85, %scan3A_86 : i32
      %scan3A_88 = arith.constant 1 : i32
      scf.for %scan3A_96 = %scan3A_85 to %scan3A_87 step %scan3A_88  : i32 {
        %mul3A_97 = arith.constant 2 : i32
        %mul3A_98 = arith.muli %mul3A_97, %scan3A_96 : i32
        %add3A_99 = vector.broadcast %mul3A_98 : i32 to vector<16xi32>
        %add3A_100 = arith.addi %shift_right_arithmetic3A_56, %add3A_99 : vector<16xi32>
        tpu.vector_store_idx %arg11[%add3A_100, %and3A_58], %broadcast_in_dim3A_54 : memref<392x8xf32, #tpu.memory_space<vmem>>[vector<16xi32>, vector<16xi32>], vector<16xf32>,
      }
      %scan3A_89 = arith.constant 196 : i32
      %scan3A_90 = arith.constant 0 : i32
      %scan3A_91 = arith.constant 0 : i32
      %scan3A_92 = arith.constant 16 : i32
      %scan3A_93 = arith.addi %scan3A_91, %scan3A_92 : i32
      %scan3A_94 = arith.constant 1 : i32
      scf.for %scan3A_96 = %scan3A_91 to %scan3A_93 step %scan3A_94  : i32 {
        %mul3A_97 = arith.constant 392 : i32
        %mul3A_98 = arith.muli %scan3A_96, %mul3A_97 : i32
        %add3A_99 = arith.addi %mul3A_0, %mul3A_98 : i32
        "tpu.region"() ({
          %run_scoped3A = tpu.sem_alloc : memref<!tpu.dma_semaphore, #tpu.memory_space<semaphore_mem>>
          %dma_start3A = arith.constant 0 : i32
          %dma_start3A_100 = tpu.memref_slice %arg6[%add3A_99, %dma_start3A] : memref<100352x8xf32, #tpu.memory_space<vmem_shared>> -> memref<392x8xf32, #tpu.memory_space<vmem_shared>>
          %dma_start3A_101 = arith.constant 0 : i32
          %dma_start3A_102 = tpu.memref_slice %arg6[%add3A_99, %dma_start3A_101] : memref<100352x8xf32, #tpu.memory_space<vmem_shared>> -> memref<392x8xf32, #tpu.memory_space<vmem_shared>>
          tpu.enqueue_dma source(%arg11 : memref<392x8xf32, #tpu.memory_space<vmem>>) target(%dma_start3A_102 : memref<392x8xf32, #tpu.memory_space<vmem_shared>>) target_semaphore(%run_scoped3A : memref<!tpu.dma_semaphore, #tpu.memory_space<semaphore_mem>>)
          %dma_wait3A = arith.constant 0 : i32
          %dma_wait3A_103 = tpu.memref_slice %arg6[%add3A_99, %dma_wait3A] : memref<100352x8xf32, #tpu.memory_space<vmem_shared>> -> memref<392x8xf32, #tpu.memory_space<vmem_shared>>
          %dma_wait3A_104 = arith.constant 0 : i32
          %dma_wait3A_105 = tpu.memref_slice %arg6[%add3A_99, %dma_wait3A_104] : memref<100352x8xf32, #tpu.memory_space<vmem_shared>> -> memref<392x8xf32, #tpu.memory_space<vmem_shared>>
          tpu.wait_dma2 semaphore(%run_scoped3A : memref<!tpu.dma_semaphore, #tpu.memory_space<semaphore_mem>>) src(%arg11 : memref<392x8xf32, #tpu.memory_space<vmem>>) dst(%dma_wait3A_105 : memref<392x8xf32, #tpu.memory_space<vmem_shared>>)
          tpu.yield
        }) : () -> ()
      }
      %scan3A_95 = arith.constant 16 : i32
    } else {
    }
    %barrier3A_67 = arith.constant 0 : index
    tpu.barrier barrier_id(%barrier3A_67)
    %mul3A_68 = arith.constant 16 : i32
    %mul3A_69 = arith.muli %arg0, %mul3A_68 : i32
    %add3A_70 = arith.addi %mul3A_69, %arg1 : i32
    %scan3A_71 = arith.constant 0 : i32
    %scan3A_72 = arith.constant 0 : i32
    %scan3A_73 = arith.constant 50 : i32
    %scan3A_74 = arith.addi %scan3A_72, %scan3A_73 : i32
    %scan3A_75 = arith.constant 1 : i32
    scf.for %scan3A_84 = %scan3A_72 to %scan3A_74 step %scan3A_75  : i32 {
      %mul3A_85 = arith.constant 50000 : i32
      %mul3A_86 = arith.muli %add3A_70, %mul3A_85 : i32
      %mul3A_87 = arith.constant 1000 : i32
      %mul3A_88 = arith.muli %scan3A_84, %mul3A_87 : i32
      %add3A_89 = arith.addi %mul3A_86, %mul3A_88 : i32
      %dma_start3A = arith.constant 0 : i32
      %dma_start3A_90 = tpu.memref_slice %arg3[%dma_start3A, %add3A_89] : memref<2x1600000xi32, #tpu.memory_space<hbm>> -> memref<1x1000xi32, #tpu.memory_space<hbm>>
      %dma_start3A_91 = tpu.memref_squeeze %dma_start3A_90 : memref<1x1000xi32, #tpu.memory_space<hbm>> -> memref<1000xi32, #tpu.memory_space<hbm>>
      %dma_start3A_92 = tpu.memref_slice %arg3[%dma_start3A, %add3A_89] : memref<2x1600000xi32, #tpu.memory_space<hbm>> -> memref<1x1000xi32, #tpu.memory_space<hbm>>
      %dma_start3A_93 = tpu.memref_squeeze %dma_start3A_92 : memref<1x1000xi32, #tpu.memory_space<hbm>> -> memref<1000xi32, #tpu.memory_space<hbm>>
      tpu.enqueue_dma source(%dma_start3A_93 : memref<1000xi32, #tpu.memory_space<hbm>>) target(%arg13 : memref<1000xi32, #tpu.memory_space<vmem>>) target_semaphore(%arg16 : memref<!tpu.dma_semaphore, #tpu.memory_space<semaphore_mem>>)
      %dma_start3A_94 = arith.constant 1 : i32
      %dma_start3A_95 = tpu.memref_slice %arg3[%dma_start3A_94, %add3A_89] : memref<2x1600000xi32, #tpu.memory_space<hbm>> -> memref<1x1000xi32, #tpu.memory_space<hbm>>
      %dma_start3A_96 = tpu.memref_squeeze %dma_start3A_95 : memref<1x1000xi32, #tpu.memory_space<hbm>> -> memref<1000xi32, #tpu.memory_space<hbm>>
      %dma_start3A_97 = tpu.memref_slice %arg3[%dma_start3A_94, %add3A_89] : memref<2x1600000xi32, #tpu.memory_space<hbm>> -> memref<1x1000xi32, #tpu.memory_space<hbm>>
      %dma_start3A_98 = tpu.memref_squeeze %dma_start3A_97 : memref<1x1000xi32, #tpu.memory_space<hbm>> -> memref<1000xi32, #tpu.memory_space<hbm>>
      tpu.enqueue_dma source(%dma_start3A_98 : memref<1000xi32, #tpu.memory_space<hbm>>) target(%arg14 : memref<1000xi32, #tpu.memory_space<vmem>>) target_semaphore(%arg17 : memref<!tpu.dma_semaphore, #tpu.memory_space<semaphore_mem>>)
      %dma_wait3A = arith.constant 0 : i32
      %dma_wait3A_99 = tpu.memref_slice %arg3[%dma_wait3A, %add3A_89] : memref<2x1600000xi32, #tpu.memory_space<hbm>> -> memref<1x1000xi32, #tpu.memory_space<hbm>>
      %dma_wait3A_100 = tpu.memref_squeeze %dma_wait3A_99 : memref<1x1000xi32, #tpu.memory_space<hbm>> -> memref<1000xi32, #tpu.memory_space<hbm>>
      %dma_wait3A_101 = tpu.memref_slice %arg3[%dma_wait3A, %add3A_89] : memref<2x1600000xi32, #tpu.memory_space<hbm>> -> memref<1x1000xi32, #tpu.memory_space<hbm>>
      %dma_wait3A_102 = tpu.memref_squeeze %dma_wait3A_101 : memref<1x1000xi32, #tpu.memory_space<hbm>> -> memref<1000xi32, #tpu.memory_space<hbm>>
      tpu.wait_dma2 semaphore(%arg16 : memref<!tpu.dma_semaphore, #tpu.memory_space<semaphore_mem>>) src(%dma_wait3A_102 : memref<1000xi32, #tpu.memory_space<hbm>>) dst(%arg13 : memref<1000xi32, #tpu.memory_space<vmem>>)
      %dma_wait3A_103 = arith.constant 1 : i32
      %dma_wait3A_104 = tpu.memref_slice %arg3[%dma_wait3A_103, %add3A_89] : memref<2x1600000xi32, #tpu.memory_space<hbm>> -> memref<1x1000xi32, #tpu.memory_space<hbm>>
      %dma_wait3A_105 = tpu.memref_squeeze %dma_wait3A_104 : memref<1x1000xi32, #tpu.memory_space<hbm>> -> memref<1000xi32, #tpu.memory_space<hbm>>
      %dma_wait3A_106 = tpu.memref_slice %arg3[%dma_wait3A_103, %add3A_89] : memref<2x1600000xi32, #tpu.memory_space<hbm>> -> memref<1x1000xi32, #tpu.memory_space<hbm>>
      %dma_wait3A_107 = tpu.memref_squeeze %dma_wait3A_106 : memref<1x1000xi32, #tpu.memory_space<hbm>> -> memref<1000xi32, #tpu.memory_space<hbm>>
      tpu.wait_dma2 semaphore(%arg17 : memref<!tpu.dma_semaphore, #tpu.memory_space<semaphore_mem>>) src(%dma_wait3A_107 : memref<1000xi32, #tpu.memory_space<hbm>>) dst(%arg14 : memref<1000xi32, #tpu.memory_space<vmem>>)
      "tpu.region"() ({
        %run_scoped3A = tpu.sem_alloc : memref<!tpu.dma_semaphore, #tpu.memory_space<semaphore_mem>>
        %dma_start3A_108 = arith.constant 0 : i32
        %dma_start3A_109 = arith.constant 0 : i32
        %dma_start3A_110 = tpu.memref_slice %arg5[%dma_start3A_108, %dma_start3A_109] : memref<100352x8xf32, #tpu.memory_space<vmem_shared>> -> memref<100352x8xf32, #tpu.memory_space<vmem_shared>>
        tpu.enqueue_indirect_dma source(%dma_start3A_110 : memref<100352x8xf32, #tpu.memory_space<vmem_shared>>) target(%arg15 : memref<1000x8xf32, #tpu.memory_space<vmem>>) offsets(%arg13 : memref<1000xi32, #tpu.memory_space<vmem>>) semaphore(%run_scoped3A : memref<!tpu.dma_semaphore, #tpu.memory_space<semaphore_mem>>)
        %dma_wait3A_111 = arith.constant 0 : i32
        %dma_wait3A_112 = arith.constant 0 : i32
        %dma_wait3A_113 = tpu.memref_slice %arg5[%dma_wait3A_111, %dma_wait3A_112] : memref<100352x8xf32, #tpu.memory_space<vmem_shared>> -> memref<100352x8xf32, #tpu.memory_space<vmem_shared>>
        tpu.wait_indirect_dma semaphore(%run_scoped3A : memref<!tpu.dma_semaphore, #tpu.memory_space<semaphore_mem>>) src(%dma_wait3A_113 : memref<100352x8xf32, #tpu.memory_space<vmem_shared>>) dst(%arg15 : memref<1000x8xf32, #tpu.memory_space<vmem>>)
        tpu.yield
      }) : () -> ()
      "tpu.region"() ({
        %run_scoped3A = tpu.sem_alloc : memref<!tpu.dma_semaphore, #tpu.memory_space<semaphore_mem>>
        %dma_start3A_108 = arith.constant 0 : i32
        %dma_start3A_109 = arith.constant 0 : i32
        %dma_start3A_110 = tpu.memref_slice %arg6[%dma_start3A_108, %dma_start3A_109] : memref<100352x8xf32, #tpu.memory_space<vmem_shared>> -> memref<100352x8xf32, #tpu.memory_space<vmem_shared>>
        tpu.enqueue_indirect_dma source(%arg15 : memref<1000x8xf32, #tpu.memory_space<vmem>>) target(%dma_start3A_110 : memref<100352x8xf32, #tpu.memory_space<vmem_shared>>) offsets(%arg14 : memref<1000xi32, #tpu.memory_space<vmem>>) semaphore(%run_scoped3A : memref<!tpu.dma_semaphore, #tpu.memory_space<semaphore_mem>>) {add = true}
        %dma_wait3A_111 = arith.constant 0 : i32
        %dma_wait3A_112 = arith.constant 0 : i32
        %dma_wait3A_113 = tpu.memref_slice %arg6[%dma_wait3A_111, %dma_wait3A_112] : memref<100352x8xf32, #tpu.memory_space<vmem_shared>> -> memref<100352x8xf32, #tpu.memory_space<vmem_shared>>
        tpu.wait_indirect_dma semaphore(%run_scoped3A : memref<!tpu.dma_semaphore, #tpu.memory_space<semaphore_mem>>) src(%arg15 : memref<1000x8xf32, #tpu.memory_space<vmem>>) dst(%dma_wait3A_113 : memref<100352x8xf32, #tpu.memory_space<vmem_shared>>)
        tpu.yield
      }) : () -> ()
    }
    %scan3A_76 = arith.constant 50 : i32
    %barrier3A_77 = arith.constant 0 : index
    tpu.barrier barrier_id(%barrier3A_77)
    %scan3A_78 = arith.constant 0 : i32
    %scan3A_79 = arith.constant 0 : i32
    %scan3A_80 = arith.constant 49 : i32
    %scan3A_81 = arith.addi %scan3A_79, %scan3A_80 : i32
    %scan3A_82 = arith.constant 1 : i32
    scf.for %scan3A_84 = %scan3A_79 to %scan3A_81 step %scan3A_82  : i32 {
      %mul3A_85 = arith.constant 128 : i32
      %mul3A_86 = arith.muli %scan3A_84, %mul3A_85 : i32
      %add3A_87 = arith.addi %mul3A_0, %mul3A_86 : i32
      "tpu.region"() ({
        %run_scoped3A = tpu.sem_alloc : memref<!tpu.dma_semaphore, #tpu.memory_space<semaphore_mem>>
        %dma_start3A = arith.constant 0 : i32
        %dma_start3A_100 = arith.constant 0 : i32
        %dma_start3A_101 = tpu.memref_slice %arg11[%dma_start3A, %dma_start3A_100] : memref<392x8xf32, #tpu.memory_space<vmem>> -> memref<128x8xf32, #tpu.memory_space<vmem>>
        %dma_start3A_102 = arith.constant 0 : i32
        %dma_start3A_103 = tpu.memref_slice %arg6[%add3A_87, %dma_start3A_102] : memref<100352x8xf32, #tpu.memory_space<vmem_shared>> -> memref<128x8xf32, #tpu.memory_space<vmem_shared>>
        %dma_start3A_104 = arith.constant 0 : i32
        %dma_start3A_105 = arith.constant 0 : i32
        %dma_start3A_106 = tpu.memref_slice %arg11[%dma_start3A_104, %dma_start3A_105] : memref<392x8xf32, #tpu.memory_space<vmem>> -> memref<128x8xf32, #tpu.memory_space<vmem>>
        %dma_start3A_107 = arith.constant 0 : i32
        %dma_start3A_108 = tpu.memref_slice %arg6[%add3A_87, %dma_start3A_107] : memref<100352x8xf32, #tpu.memory_space<vmem_shared>> -> memref<128x8xf32, #tpu.memory_space<vmem_shared>>
        tpu.enqueue_dma source(%dma_start3A_108 : memref<128x8xf32, #tpu.memory_space<vmem_shared>>) target(%dma_start3A_106 : memref<128x8xf32, #tpu.memory_space<vmem>>) target_semaphore(%run_scoped3A : memref<!tpu.dma_semaphore, #tpu.memory_space<semaphore_mem>>)
        %dma_wait3A = arith.constant 0 : i32
        %dma_wait3A_109 = arith.constant 0 : i32
        %dma_wait3A_110 = tpu.memref_slice %arg11[%dma_wait3A, %dma_wait3A_109] : memref<392x8xf32, #tpu.memory_space<vmem>> -> memref<128x8xf32, #tpu.memory_space<vmem>>
        %dma_wait3A_111 = arith.constant 0 : i32
        %dma_wait3A_112 = tpu.memref_slice %arg6[%add3A_87, %dma_wait3A_111] : memref<100352x8xf32, #tpu.memory_space<vmem_shared>> -> memref<128x8xf32, #tpu.memory_space<vmem_shared>>
        %dma_wait3A_113 = arith.constant 0 : i32
        %dma_wait3A_114 = arith.constant 0 : i32
        %dma_wait3A_115 = tpu.memref_slice %arg11[%dma_wait3A_113, %dma_wait3A_114] : memref<392x8xf32, #tpu.memory_space<vmem>> -> memref<128x8xf32, #tpu.memory_space<vmem>>
        %dma_wait3A_116 = arith.constant 0 : i32
        %dma_wait3A_117 = tpu.memref_slice %arg6[%add3A_87, %dma_wait3A_116] : memref<100352x8xf32, #tpu.memory_space<vmem_shared>> -> memref<128x8xf32, #tpu.memory_space<vmem_shared>>
        tpu.wait_dma2 semaphore(%run_scoped3A : memref<!tpu.dma_semaphore, #tpu.memory_space<semaphore_mem>>) src(%dma_wait3A_117 : memref<128x8xf32, #tpu.memory_space<vmem_shared>>) dst(%dma_wait3A_115 : memref<128x8xf32, #tpu.memory_space<vmem>>)
        tpu.yield
      }) : () -> ()
      %scan3A_88 = arith.constant 0 : i32
      %scan3A_89 = arith.constant 0 : i32
      %scan3A_90 = arith.constant 64 : i32
      %scan3A_91 = arith.addi %scan3A_89, %scan3A_90 : i32
      %scan3A_92 = arith.constant 1 : i32
      scf.for %scan3A_100 = %scan3A_89 to %scan3A_91 step %scan3A_92  : i32 {
        %mul3A_101 = arith.constant 2 : i32
        %mul3A_102 = arith.muli %mul3A_101, %scan3A_100 : i32
        %add3A_103 = vector.broadcast %mul3A_102 : i32 to vector<16xi32>
        %add3A_104 = arith.addi %shift_right_arithmetic3A_56, %add3A_103 : vector<16xi32>
        %mul3A_105 = arith.constant 128 : i32
        %mul3A_106 = arith.muli %scan3A_84, %mul3A_105 : i32
        %add3A_107 = vector.broadcast %mul3A_106 : i32 to vector<16xi32>
        %add3A_108 = arith.addi %add3A_107, %add3A_104 : vector<16xi32>
        %gather3A = tpu.vector_load_idx %arg9[%add3A_108] : memref<6272xf32, #tpu.memory_space<vmem>>[vector<16xi32>], vector<16xf32>,
        %gather3A_109 = tpu.vector_load_idx %arg11[%add3A_104, %and3A_58] : memref<392x8xf32, #tpu.memory_space<vmem>>[vector<16xi32>, vector<16xi32>], vector<16xf32>,
        %mul3A_110 = arith.mulf %gather3A_109, %gather3A : vector<16xf32>
        tpu.vector_store_idx %arg12[%and3A_58, %add3A_104], %mul3A_110 : memref<8x128xf32, #tpu.memory_space<vmem>>[vector<16xi32>, vector<16xi32>], vector<16xf32>,
      }
      %scan3A_93 = arith.constant 64 : i32
      %mul3A_94 = arith.constant 784 : i32
      %mul3A_95 = arith.muli %arg0, %mul3A_94 : i32
      %mul3A_96 = arith.constant 49 : i32
      %mul3A_97 = arith.muli %arg1, %mul3A_96 : i32
      %add3A_98 = arith.addi %mul3A_95, %mul3A_97 : i32
      %add3A_99 = arith.addi %add3A_98, %scan3A_84 : i32
      "tpu.region"() ({
        %run_scoped3A = tpu.sem_alloc : memref<!tpu.dma_semaphore, #tpu.memory_space<semaphore_mem>>
        %dma_start3A = arith.constant 0 : i32
        %dma_start3A_100 = arith.constant 0 : i32
        %dma_start3A_101 = tpu.memref_slice %arg4[%add3A_99, %dma_start3A, %dma_start3A_100] : memref<1568x8x128xf32, #tpu.memory_space<hbm>> -> memref<1x8x128xf32, #tpu.memory_space<hbm>>
        %dma_start3A_102 = tpu.memref_squeeze %dma_start3A_101 : memref<1x8x128xf32, #tpu.memory_space<hbm>> -> memref<8x128xf32, #tpu.memory_space<hbm>>
        %dma_start3A_103 = arith.constant 0 : i32
        %dma_start3A_104 = arith.constant 0 : i32
        %dma_start3A_105 = tpu.memref_slice %arg4[%add3A_99, %dma_start3A_103, %dma_start3A_104] : memref<1568x8x128xf32, #tpu.memory_space<hbm>> -> memref<1x8x128xf32, #tpu.memory_space<hbm>>
        %dma_start3A_106 = tpu.memref_squeeze %dma_start3A_105 : memref<1x8x128xf32, #tpu.memory_space<hbm>> -> memref<8x128xf32, #tpu.memory_space<hbm>>
        tpu.enqueue_dma source(%arg12 : memref<8x128xf32, #tpu.memory_space<vmem>>) target(%dma_start3A_106 : memref<8x128xf32, #tpu.memory_space<hbm>>) target_semaphore(%run_scoped3A : memref<!tpu.dma_semaphore, #tpu.memory_space<semaphore_mem>>)
        %dma_wait3A = arith.constant 0 : i32
        %dma_wait3A_107 = arith.constant 0 : i32
        %dma_wait3A_108 = tpu.memref_slice %arg4[%add3A_99, %dma_wait3A, %dma_wait3A_107] : memref<1568x8x128xf32, #tpu.memory_space<hbm>> -> memref<1x8x128xf32, #tpu.memory_space<hbm>>
        %dma_wait3A_109 = tpu.memref_squeeze %dma_wait3A_108 : memref<1x8x128xf32, #tpu.memory_space<hbm>> -> memref<8x128xf32, #tpu.memory_space<hbm>>
        %dma_wait3A_110 = arith.constant 0 : i32
        %dma_wait3A_111 = arith.constant 0 : i32
        %dma_wait3A_112 = tpu.memref_slice %arg4[%add3A_99, %dma_wait3A_110, %dma_wait3A_111] : memref<1568x8x128xf32, #tpu.memory_space<hbm>> -> memref<1x8x128xf32, #tpu.memory_space<hbm>>
        %dma_wait3A_113 = tpu.memref_squeeze %dma_wait3A_112 : memref<1x8x128xf32, #tpu.memory_space<hbm>> -> memref<8x128xf32, #tpu.memory_space<hbm>>
        tpu.wait_dma2 semaphore(%run_scoped3A : memref<!tpu.dma_semaphore, #tpu.memory_space<semaphore_mem>>) src(%arg12 : memref<8x128xf32, #tpu.memory_space<vmem>>) dst(%dma_wait3A_113 : memref<8x128xf32, #tpu.memory_space<hbm>>)
        tpu.yield
      }) : () -> ()
    }
    %scan3A_83 = arith.constant 49 : i32
    return
  }
}

module attributes {stable_mosaic.version = 14 : i64} {
  func.func @tc_body(%arg0: i32, %arg1: memref<16x8x128xf32, #tpu.memory_space<vmem>>, %arg2: memref<16x8x128xf32, #tpu.memory_space<vmem>>, %arg3: memref<16x128xi32, #tpu.memory_space<vmem>>, %arg4: memref<8x64xf32, #tpu.memory_space<vmem>>, %arg5: memref<1x64xf32, #tpu.memory_space<vmem>>, %arg6: memref<64x64xf32, #tpu.memory_space<vmem>>, %arg7: memref<1x64xf32, #tpu.memory_space<vmem>>, %arg8: memref<64x16xf32, #tpu.memory_space<vmem>>, %arg9: memref<1x16xf32, #tpu.memory_space<vmem>>, %arg10: memref<256x16xf32, #tpu.memory_space<vmem>>, %arg11: memref<256x64xf32, #tpu.memory_space<vmem>>, %arg12: memref<1x256xf32, #tpu.memory_space<vmem>>) attributes {dimension_semantics = [#tpu.dimension_semantics<arbitrary>], iteration_bounds = array<i64: 49>, scalar_prefetch = 0 : i64, scratch_operands = 2 : i64, tpu.core_type = #tpu.core_type<tc>, window_params = [{transform_indices = @transform_0, window_bounds = array<i64: 16, 8, 128>}, {transform_indices = @transform_1, window_bounds = array<i64: 16, 8, 128>}, {transform_indices = @transform_2, window_bounds = array<i64: 16, 128>}, {pipeline_mode = #tpu.pipeline_mode<synchronous>, transform_indices = @transform_3, window_bounds = array<i64: 8, 64>}, {pipeline_mode = #tpu.pipeline_mode<synchronous>, transform_indices = @transform_4, window_bounds = array<i64: 1, 64>}, {pipeline_mode = #tpu.pipeline_mode<synchronous>, transform_indices = @transform_5, window_bounds = array<i64: 64, 64>}, {pipeline_mode = #tpu.pipeline_mode<synchronous>, transform_indices = @transform_6, window_bounds = array<i64: 1, 64>}, {pipeline_mode = #tpu.pipeline_mode<synchronous>, transform_indices = @transform_7, window_bounds = array<i64: 64, 16>}, {pipeline_mode = #tpu.pipeline_mode<synchronous>, transform_indices = @transform_8, window_bounds = array<i64: 1, 16>}, {pipeline_mode = #tpu.pipeline_mode<synchronous>, transform_indices = @transform_9, window_bounds = array<i64: 256, 16>}]} {
    %eq3A = arith.constant 0 : i32
    %eq3A_0 = arith.cmpi eq, %arg0, %eq3A : i32
    %convert_element_type3A = arith.extui %eq3A_0 : i1 to i32
    %cond3A = arith.constant 0 : i32
    %cond3A_1 = arith.cmpi ne, %convert_element_type3A, %cond3A : i32
    scf.if %cond3A_1 {
      %broadcast_in_dim3A_52 = arith.constant 0.000000e+00 : f32
      %broadcast_in_dim3A_53 = vector.broadcast %broadcast_in_dim3A_52 : f32 to vector<256x64xf32>
      %swap3A_54 = arith.constant 0 : index
      %swap3A_55 = arith.constant 0 : index
      %swap3A_56 = vector.load %arg11[%swap3A_54, %swap3A_55] : memref<256x64xf32, #tpu.memory_space<vmem>>, vector<256x64xf32>
      tpu.vector_store %arg11[%swap3A_54, %swap3A_55], %broadcast_in_dim3A_53 {strides = array<i32>} : memref<256x64xf32, #tpu.memory_space<vmem>>, vector<256x64xf32>,
      %broadcast_in_dim3A_57 = arith.constant 0.000000e+00 : f32
      %broadcast_in_dim3A_58 = vector.broadcast %broadcast_in_dim3A_57 : f32 to vector<1x256xf32>
      %swap3A_59 = arith.constant 0 : index
      %swap3A_60 = arith.constant 0 : index
      %swap3A_61 = vector.load %arg12[%swap3A_59, %swap3A_60] : memref<1x256xf32, #tpu.memory_space<vmem>>, vector<1x256xf32>
      tpu.vector_store %arg12[%swap3A_59, %swap3A_60], %broadcast_in_dim3A_58 {strides = array<i32>} : memref<1x256xf32, #tpu.memory_space<vmem>>, vector<1x256xf32>,
    } else {
    }
    %get3A = arith.constant 0 : index
    %get3A_2 = arith.constant 0 : index
    %get3A_3 = arith.constant 0 : index
    %get3A_4 = vector.load %arg1[%get3A, %get3A_2, %get3A_3] : memref<16x8x128xf32, #tpu.memory_space<vmem>>, vector<16x8x128xf32>
    %get3A_5 = arith.constant 0 : index
    %get3A_6 = arith.constant 0 : index
    %get3A_7 = arith.constant 0 : index
    %get3A_8 = vector.load %arg2[%get3A_5, %get3A_6, %get3A_7] : memref<16x8x128xf32, #tpu.memory_space<vmem>>, vector<16x8x128xf32>
    %add3A = arith.addf %get3A_4, %get3A_8 : vector<16x8x128xf32>
    %get3A_9 = arith.constant 0 : index
    %get3A_10 = arith.constant 0 : index
    %get3A_11 = vector.load %arg4[%get3A_9, %get3A_10] : memref<8x64xf32, #tpu.memory_space<vmem>>, vector<8x64xf32>
    %dot_general3A = arith.constant dense<0.000000e+00> : vector<16x128x64xf32>
    %dot_general3A_12 = tpu.matmul %add3A, %get3A_11, %dot_general3A {dimension_numbers = #tpu.dot_dimension_numbers<[1], [0], [0, 2], [1], [0, 0, 0, 2, 1, 1], [], []>, transpose_lhs_hint = false} : vector<16x8x128xf32>, vector<8x64xf32>, vector<16x128x64xf32> -> vector<16x128x64xf32>
    %get3A_13 = arith.constant 0 : index
    %get3A_14 = arith.constant 0 : index
    %get3A_15 = vector.load %arg5[%get3A_13, %get3A_14] : memref<1x64xf32, #tpu.memory_space<vmem>>, vector<1x64xf32>
    %broadcast_in_dim3A = vector.shape_cast %get3A_15 : vector<1x64xf32> to vector<1x1x64xf32>
    %add3A_16 = vector.broadcast %broadcast_in_dim3A : vector<1x1x64xf32> to vector<16x128x64xf32>
    %add3A_17 = arith.addf %dot_general3A_12, %add3A_16 : vector<16x128x64xf32>
    %max3A = arith.constant 0.000000e+00 : f32
    %max3A_18 = vector.broadcast %max3A : f32 to vector<16x128x64xf32>
    %max3A_19 = arith.maximumf %add3A_17, %max3A_18 : vector<16x128x64xf32>
    %get3A_20 = arith.constant 0 : index
    %get3A_21 = arith.constant 0 : index
    %get3A_22 = vector.load %arg3[%get3A_20, %get3A_21] : memref<16x128xi32, #tpu.memory_space<vmem>>, vector<16x128xi32>
    %broadcast_in_dim3A_23 = vector.shape_cast %get3A_22 : vector<16x128xi32> to vector<16x1x128xi32>
    %iota3A = tpu.iota {dimensions = array<i32: 1>} : vector<16x256x128xi32>
    %eq3A_24 = vector.broadcast %broadcast_in_dim3A_23 : vector<16x1x128xi32> to vector<16x256x128xi32>
    %eq3A_25 = arith.cmpi eq, %iota3A, %eq3A_24 : vector<16x256x128xi32>
    %convert_element_type3A_26 = arith.extui %eq3A_25 : vector<16x256x128xi1> to vector<16x256x128xi32>
    %convert_element_type3A_27 = arith.sitofp %convert_element_type3A_26 : vector<16x256x128xi32> to vector<16x256x128xf32>
    %dot_general3A_28 = arith.constant dense<0.000000e+00> : vector<16x256x64xf32>
    %dot_general3A_29 = tpu.matmul %convert_element_type3A_27, %max3A_19, %dot_general3A_28 {dimension_numbers = #tpu.dot_dimension_numbers<[2], [1], [1], [2], [0, 0, 0, 1, 1, 2], [0], [0]>, transpose_lhs_hint = false} : vector<16x256x128xf32>, vector<16x128x64xf32>, vector<16x256x64xf32> -> vector<16x256x64xf32>
    %get3A_30 = arith.constant 0 : index
    %get3A_31 = arith.constant 0 : index
    %get3A_32 = vector.load %arg11[%get3A_30, %get3A_31] : memref<256x64xf32, #tpu.memory_space<vmem>>, vector<256x64xf32>
    %reduce_sum3A = arith.constant dense<0.000000e+00> : vector<256x64xf32>
    %reduce_sum3A_33 = vector.multi_reduction <add>, %dot_general3A_29, %reduce_sum3A [0] : vector<16x256x64xf32> to vector<256x64xf32>
    %add3A_34 = arith.addf %get3A_32, %reduce_sum3A_33 : vector<256x64xf32>
    %swap3A = arith.constant 0 : index
    %swap3A_35 = arith.constant 0 : index
    %swap3A_36 = vector.load %arg11[%swap3A, %swap3A_35] : memref<256x64xf32, #tpu.memory_space<vmem>>, vector<256x64xf32>
    tpu.vector_store %arg11[%swap3A, %swap3A_35], %add3A_34 {strides = array<i32>} : memref<256x64xf32, #tpu.memory_space<vmem>>, vector<256x64xf32>,
    %get3A_37 = arith.constant 0 : index
    %get3A_38 = arith.constant 0 : index
    %get3A_39 = vector.load %arg12[%get3A_37, %get3A_38] : memref<1x256xf32, #tpu.memory_space<vmem>>, vector<1x256xf32>
    %reduce_sum3A_40 = arith.constant dense<0.000000e+00> : vector<256xf32>
    %reduce_sum3A_41 = vector.multi_reduction <add>, %convert_element_type3A_27, %reduce_sum3A_40 [0, 2] : vector<16x256x128xf32> to vector<256xf32>
    %broadcast_in_dim3A_42 = vector.shape_cast %reduce_sum3A_41 : vector<256xf32> to vector<1x256xf32>
    %add3A_43 = arith.addf %get3A_39, %broadcast_in_dim3A_42 : vector<1x256xf32>
    %swap3A_44 = arith.constant 0 : index
    %swap3A_45 = arith.constant 0 : index
    %swap3A_46 = vector.load %arg12[%swap3A_44, %swap3A_45] : memref<1x256xf32, #tpu.memory_space<vmem>>, vector<1x256xf32>
    tpu.vector_store %arg12[%swap3A_44, %swap3A_45], %add3A_43 {strides = array<i32>} : memref<1x256xf32, #tpu.memory_space<vmem>>, vector<1x256xf32>,
    %eq3A_47 = arith.constant 48 : i32
    %eq3A_48 = arith.cmpi eq, %arg0, %eq3A_47 : i32
    %convert_element_type3A_49 = arith.extui %eq3A_48 : i1 to i32
    %cond3A_50 = arith.constant 0 : i32
    %cond3A_51 = arith.cmpi ne, %convert_element_type3A_49, %cond3A_50 : i32
    scf.if %cond3A_51 {
      %get3A_52 = arith.constant 0 : index
      %get3A_53 = arith.constant 0 : index
      %get3A_54 = vector.load %arg12[%get3A_52, %get3A_53] : memref<1x256xf32, #tpu.memory_space<vmem>>, vector<1x256xf32>
      %transpose3A = tpu.transpose %get3A_54, [1, 0] : vector<1x256xf32> -> vector<256x1xf32>
      %get3A_55 = arith.constant 0 : index
      %get3A_56 = arith.constant 0 : index
      %get3A_57 = vector.load %arg11[%get3A_55, %get3A_56] : memref<256x64xf32, #tpu.memory_space<vmem>>, vector<256x64xf32>
      %max3A_58 = arith.constant 1.000000e+00 : f32
      %max3A_59 = vector.broadcast %max3A_58 : f32 to vector<256x1xf32>
      %max3A_60 = arith.maximumf %transpose3A, %max3A_59 : vector<256x1xf32>
      %div3A = vector.broadcast %max3A_60 : vector<256x1xf32> to vector<256x64xf32>
      %div3A_61 = arith.divf %get3A_57, %div3A : vector<256x64xf32>
      %get3A_62 = arith.constant 0 : index
      %get3A_63 = arith.constant 0 : index
      %get3A_64 = vector.load %arg6[%get3A_62, %get3A_63] : memref<64x64xf32, #tpu.memory_space<vmem>>, vector<64x64xf32>
      %dot_general3A_65 = arith.constant dense<0.000000e+00> : vector<256x64xf32>
      %dot_general3A_66 = tpu.matmul %div3A_61, %get3A_64, %dot_general3A_65 {dimension_numbers = #tpu.dot_dimension_numbers<[1], [0], [0], [1], [0, 0, 1, 1], [], []>, transpose_lhs_hint = false} : vector<256x64xf32>, vector<64x64xf32>, vector<256x64xf32> -> vector<256x64xf32>
      %get3A_67 = arith.constant 0 : index
      %get3A_68 = arith.constant 0 : index
      %get3A_69 = vector.load %arg7[%get3A_67, %get3A_68] : memref<1x64xf32, #tpu.memory_space<vmem>>, vector<1x64xf32>
      %add3A_70 = vector.broadcast %get3A_69 : vector<1x64xf32> to vector<256x64xf32>
      %add3A_71 = arith.addf %dot_general3A_66, %add3A_70 : vector<256x64xf32>
      %max3A_72 = arith.constant 0.000000e+00 : f32
      %max3A_73 = vector.broadcast %max3A_72 : f32 to vector<256x64xf32>
      %max3A_74 = arith.maximumf %add3A_71, %max3A_73 : vector<256x64xf32>
      %get3A_75 = arith.constant 0 : index
      %get3A_76 = arith.constant 0 : index
      %get3A_77 = vector.load %arg8[%get3A_75, %get3A_76] : memref<64x16xf32, #tpu.memory_space<vmem>>, vector<64x16xf32>
      %dot_general3A_78 = arith.constant dense<0.000000e+00> : vector<256x16xf32>
      %dot_general3A_79 = tpu.matmul %max3A_74, %get3A_77, %dot_general3A_78 {dimension_numbers = #tpu.dot_dimension_numbers<[1], [0], [0], [1], [0, 0, 1, 1], [], []>, transpose_lhs_hint = false} : vector<256x64xf32>, vector<64x16xf32>, vector<256x16xf32> -> vector<256x16xf32>
      %get3A_80 = arith.constant 0 : index
      %get3A_81 = arith.constant 0 : index
      %get3A_82 = vector.load %arg9[%get3A_80, %get3A_81] : memref<1x16xf32, #tpu.memory_space<vmem>>, vector<1x16xf32>
      %add3A_83 = vector.broadcast %get3A_82 : vector<1x16xf32> to vector<256x16xf32>
      %add3A_84 = arith.addf %dot_general3A_79, %add3A_83 : vector<256x16xf32>
      %reduce_max3A = arith.constant dense<0xFF800000> : vector<256xf32>
      %reduce_max3A_85 = vector.multi_reduction <maximumf>, %add3A_84, %reduce_max3A [1] : vector<256x16xf32> to vector<256xf32>
      %broadcast_in_dim3A_86 = vector.shape_cast %reduce_max3A_85 : vector<256xf32> to vector<256x1xf32>
      %sub3A = vector.broadcast %broadcast_in_dim3A_86 : vector<256x1xf32> to vector<256x16xf32>
      %sub3A_87 = arith.subf %add3A_84, %sub3A : vector<256x16xf32>
      %exp3A = math.exp %sub3A_87 : vector<256x16xf32>
      %reduce_sum3A_88 = arith.constant dense<0.000000e+00> : vector<256xf32>
      %reduce_sum3A_89 = vector.multi_reduction <add>, %exp3A, %reduce_sum3A_88 [1] : vector<256x16xf32> to vector<256xf32>
      %broadcast_in_dim3A_90 = vector.shape_cast %reduce_sum3A_89 : vector<256xf32> to vector<256x1xf32>
      %log3A = math.log %broadcast_in_dim3A_90 : vector<256x1xf32>
      %add3A_91 = arith.addf %log3A, %broadcast_in_dim3A_86 : vector<256x1xf32>
      %sub3A_92 = vector.broadcast %add3A_91 : vector<256x1xf32> to vector<256x16xf32>
      %sub3A_93 = arith.subf %add3A_84, %sub3A_92 : vector<256x16xf32>
      %swap3A_94 = arith.constant 0 : index
      %swap3A_95 = arith.constant 0 : index
      %swap3A_96 = vector.load %arg10[%swap3A_94, %swap3A_95] : memref<256x16xf32, #tpu.memory_space<vmem>>, vector<256x16xf32>
      tpu.vector_store %arg10[%swap3A_94, %swap3A_95], %sub3A_93 {strides = array<i32>} : memref<256x16xf32, #tpu.memory_space<vmem>>, vector<256x16xf32>,
    } else {
    }
    return
  }
  func.func @transform_0(%arg0: i32) -> (i32, i32, i32) {
    %c0_i32 = arith.constant 0 : i32
    %c0_i32_0 = arith.constant 0 : i32
    %c0_i32_1 = arith.constant 0 : i32
    return %arg0, %c0_i32, %c0_i32_0 : i32, i32, i32
  }
  func.func @transform_1(%arg0: i32) -> (i32, i32, i32) {
    %add3A = arith.constant 49 : i32
    %add3A_0 = arith.addi %arg0, %add3A : i32
    %c0_i32 = arith.constant 0 : i32
    %c0_i32_1 = arith.constant 0 : i32
    %c0_i32_2 = arith.constant 0 : i32
    return %add3A_0, %c0_i32, %c0_i32_1 : i32, i32, i32
  }
  func.func @transform_2(%arg0: i32) -> (i32, i32) {
    %c0_i32 = arith.constant 0 : i32
    %c0_i32_0 = arith.constant 0 : i32
    return %arg0, %c0_i32 : i32, i32
  }
  func.func @transform_3(%arg0: i32) -> (i32, i32) {
    %c0_i32 = arith.constant 0 : i32
    %c0_i32_0 = arith.constant 0 : i32
    %c0_i32_1 = arith.constant 0 : i32
    return %c0_i32, %c0_i32_0 : i32, i32
  }
  func.func @transform_4(%arg0: i32) -> (i32, i32) {
    %c0_i32 = arith.constant 0 : i32
    %c0_i32_0 = arith.constant 0 : i32
    %c0_i32_1 = arith.constant 0 : i32
    return %c0_i32, %c0_i32_0 : i32, i32
  }
  func.func @transform_5(%arg0: i32) -> (i32, i32) {
    %c0_i32 = arith.constant 0 : i32
    %c0_i32_0 = arith.constant 0 : i32
    %c0_i32_1 = arith.constant 0 : i32
    return %c0_i32, %c0_i32_0 : i32, i32
  }
  func.func @transform_6(%arg0: i32) -> (i32, i32) {
    %c0_i32 = arith.constant 0 : i32
    %c0_i32_0 = arith.constant 0 : i32
    %c0_i32_1 = arith.constant 0 : i32
    return %c0_i32, %c0_i32_0 : i32, i32
  }
  func.func @transform_7(%arg0: i32) -> (i32, i32) {
    %c0_i32 = arith.constant 0 : i32
    %c0_i32_0 = arith.constant 0 : i32
    %c0_i32_1 = arith.constant 0 : i32
    return %c0_i32, %c0_i32_0 : i32, i32
  }
  func.func @transform_8(%arg0: i32) -> (i32, i32) {
    %c0_i32 = arith.constant 0 : i32
    %c0_i32_0 = arith.constant 0 : i32
    %c0_i32_1 = arith.constant 0 : i32
    return %c0_i32, %c0_i32_0 : i32, i32
  }
  func.func @transform_9(%arg0: i32) -> (i32, i32) {
    %c0_i32 = arith.constant 0 : i32
    %c0_i32_0 = arith.constant 0 : i32
    %c0_i32_1 = arith.constant 0 : i32
    return %c0_i32, %c0_i32_0 : i32, i32
  }
}

</mosaic_0001>

<sc_bundles>
// kernel: kernel.4.cloned.1.call-start
scs
__scs_entry_jumppad:
0x0: {  	(pc) =	sbr.rel $0x88, $3  }
0x1: {  	(tag) =	ssettag $0x0;
	lr =	simm.s32 $0x1  }
0x2: {  	[smem:$0x3F98] =	sst lr;
	_ =	strace $0xD0000000  }
0x3: {  	_ = 	snop  }
0x4: {  	_ = 	snop  }
0x5: {  	_ = 	snop  }
0x6: {  	_ = 	snop  }
0x7: {  	_ = 	snop  }
__scs_overlays_trampoline_lowered:
0x8: {  	[smem:$0x3FA7] =	sst s0  }
0x9: {  	[smem:$0x3FA8] =	sst s1  }
0xa: {  	[smem:$0x3FA9] =	sst s2  }
0xb: {  	[smem:$0x3FAA] =	sst s3  }
0xc: {  	[smem:$0x3FAB] =	sst s4  }
0xd: {  	[smem:$0x3FAC] =	sst s5  }
0xe: {  	[smem:$0x3FAD] =	sst s6  }
0xf: {  	[smem:$0x3FAE] =	sst s7  }
0x10: {  	[smem:$0x3FAF] =	sst s8  }
0x11: {  	[smem:$0x3FB0] =	sst s9;
	s0 =	simm.s32 @!p0 $0x0  }
0x12: {  	s1 =	sld [smem:$0x3F96];
	s0 =	simm.s32 @p0 $0x1  }
0x13: {  	[smem:$0x3FB1] =	sst s0;
	s0 =	simm.s32 @!p1 $0x0  }
0x14: {  	s2 =	sld [smem:$0x3F95];
	s0 =	simm.s32 @p1 $0x1  }
0x15: {  	[smem:$0x3FB2] =	sst s0;
	s0 =	simm.s32 @!p2 $0x0  }
0x16: {  	s3 =	sld [smem:$0x3FDB];
	s0 =	simm.s32 @p2 $0x1  }
0x17: {  	s4 =	simm.s32 $0x1BF5;
	[smem:$0x3FB4] =	sst s0  }
0x18: {  	s0 =	sld [smem:$0x3F97];
	_ =	swait.ge [sflag:s4], $0x0  }
0x19: {  	s7 =	sld [smem:$0x3F98]  }
0x1a: {  	s8 =	sadd.s32 $0xFFFFE003, lr  }
0x1b: {  	s9 =	sadd.s32 $0xFFFFFEF7, lr;
	s5 =	simm.s32 $0xFFFFFFFF;
	p2 =	slt.u32 s8, $0xFFFFF086  }
0x1c: {  	p1 =	slt.u32 s9, $0xF7A;
	s5 =	simm.s32 @!p2 $0x0  }
0x1d: {  	s5 =	simm.s32 @p1 $0x1;
	p0 =	seq.s32 s7, s2  }
0x1e: {  	s7 =	smul.u32 @!p0 $0xF7A, s2;
	p2 =	seq.s32 @!p0 s5, $0x0  }
0x1f: {  	s9 =	smul.u32 $0xF7A, s1;
	s8 =	simm.s32 @!p0 $0x1BF5;
	p2 =	por !p2, p0  }
0x20: {  	[sflag:s8] =	ssyncset.s32 @!p0 $0xFFFFF086;
	s6 =	sadd.s32 @!p0 s3, s7;
	s7 =	simm.s32 @!p0 $0x108  }
0x21: {  	s3 =	sadd.s32 s3, s9;
	s6 =	sadd.s32 @!p0 $0x88, s6;
	s7 =	simm.s32 @p2 $0x1082  }
0x22: {  	[simem:s7], [sflag:s8] =	dma.local @!p0 [hbm:s6], $0xF7A  }
0x23: {  	s9 =	sor.u32 $0xD0000000, s2;
	s6 =	simm.s32 $0x108;
	_ =	swait.ge @!p0 [sflag:s8], $0x0  }
0x24: {  	s3 =	sadd.s32 $0x88, s3;
	s6 =	simm.s32 @!p1 $0x1082;
	[sflag:s4] =	ssyncset.s32 $0xFFFFF086  }
0x25: {  	[simem:s6], [sflag:s4] =	dma.local [hbm:s3], $0xF7A  }
0x26: {  	[smem:$0x3F98] =	sst s1;
	(tag) =	ssettag s2;
	_ =	strace s9  }
0x27: {  	s1 =	sld [smem:$0x3FA8]  }
0x28: {  	s2 =	sld [smem:$0x3FA9]  }
0x29: {  	s4 =	sld [smem:$0x3FAB]  }
0x2a: {  	p0 =	seq.s32 s5, $0x0;
	s5 =	sld [smem:$0x3FAC]  }
0x2b: {  	s6 =	sld [smem:$0x3FAD]  }
0x2c: {  	s7 =	sld [smem:$0x3FAE]  }
0x2d: {  	s3 =	simm.s32 $0x108;
	s8 =	sld [smem:$0x3FAF]  }
0x2e: {  	s3 =	simm.s32 @!p0 $0x1082;
	s9 =	sld [smem:$0x3FB0]  }
0x2f: {  	lr =	sadd.s32 s0, s3;
	s0 =	sld [smem:$0x3FA7]  }
0x30: {  	s3 =	sld [smem:$0x3FAA]  }
0x31: {  	[smem:$0x3FB3] =	sst s10  }
0x32: {  	s10 =	sld [smem:$0x3FB1];
	_ =	sdelay $0x3  }
0x33: {  	p0 =	seq.s32 s10, $0x1;
	s10 =	sld [smem:$0x3FB3];
	_ =	sdelay $0x3  }
0x34: {  	[smem:$0x3FB3] =	sst s10  }
0x35: {  	s10 =	sld [smem:$0x3FB2];
	_ =	sdelay $0x3  }
0x36: {  	p1 =	seq.s32 s10, $0x1;
	s10 =	sld [smem:$0x3FB3];
	_ =	sdelay $0x3  }
0x37: {  	[smem:$0x3FB3] =	sst s10  }
0x38: {  	s10 =	sld [smem:$0x3FB4]  }
0x39: {  	_ = 	snop;
	(pc) =	sbr.ind lr, $3  }
0x3a: {  	_ = 	snop  }
0x3b: {  	_ = 	snop  }
0x3c: {  	p2 =	seq.s32 s10, $0x1;
	s10 =	sld [smem:$0x3FB3]  }
0x3d: {  	_ =	shalt  }
0x3e: {  	_ =	shalt  }
0x3f: {  	_ =	shalt  }
0x40: {  	_ =	shalt  }
0x41: {  	_ =	shalt  }
0x42: {  	_ =	shalt  }
0x43: {  	_ =	shalt  }
0x44: {  	_ =	shalt  }
0x45: {  	_ =	shalt  }
0x46: {  	_ =	shalt  }
0x47: {  	_ =	shalt  }
0x48: {  	_ =	shalt  }
0x49: {  	_ =	shalt  }
0x4a: {  	_ =	shalt  }
0x4b: {  	_ =	shalt  }
0x4c: {  	_ =	shalt  }
0x4d: {  	_ =	shalt  }
0x4e: {  	_ =	shalt  }
0x4f: {  	_ =	shalt  }
0x50: {  	_ =	shalt  }
0x51: {  	_ =	shalt  }
0x52: {  	_ =	shalt  }
0x53: {  	_ =	shalt  }
0x54: {  	_ =	shalt  }
0x55: {  	_ =	shalt  }
0x56: {  	_ =	shalt  }
0x57: {  	_ =	shalt  }
0x58: {  	_ =	shalt  }
0x59: {  	_ =	shalt  }
0x5a: {  	_ =	shalt  }
0x5b: {  	_ =	shalt  }
0x5c: {  	_ =	shalt  }
0x5d: {  	_ =	shalt  }
0x5e: {  	_ =	shalt  }
0x5f: {  	_ =	shalt  }
0x60: {  	_ =	shalt  }
0x61: {  	_ =	shalt  }
0x62: {  	_ =	shalt  }
0x63: {  	_ =	shalt  }
0x64: {  	_ =	shalt  }
0x65: {  	_ =	shalt  }
0x66: {  	_ =	shalt  }
0x67: {  	_ =	shalt  }
0x68: {  	_ =	shalt  }
0x69: {  	_ =	shalt  }
0x6a: {  	_ =	shalt  }
0x6b: {  	_ =	shalt  }
0x6c: {  	_ =	shalt  }
0x6d: {  	_ =	shalt  }
0x6e: {  	_ =	shalt  }
0x6f: {  	_ =	shalt  }
0x70: {  	_ =	shalt  }
0x71: {  	_ =	shalt  }
0x72: {  	_ =	shalt  }
0x73: {  	_ =	shalt  }
0x74: {  	_ =	shalt  }
0x75: {  	_ =	shalt  }
0x76: {  	_ =	shalt  }
0x77: {  	_ =	shalt  }
0x78: {  	_ =	shalt  }
0x79: {  	_ =	shalt  }
0x7a: {  	_ =	shalt  }
0x7b: {  	_ =	shalt  }
0x7c: {  	_ =	shalt  }
0x7d: {  	_ =	shalt  }
0x7e: {  	_ =	shalt  }
0x7f: {  	_ =	shalt  }
0x80: {  	_ =	shalt  }
0x81: {  	_ =	shalt  }
0x82: {  	_ =	shalt  }
0x83: {  	_ =	shalt  }
0x84: {  	_ =	shalt  }
0x85: {  	_ =	shalt  }
0x86: {  	_ =	shalt  }
0x87: {  	_ =	shalt  }
.Lfunc_end0:
.L_simem_size_0:
called_computation_lowered:
.L_overlay_start_0:
0x88: {  	s2 =	sld [smem:$0x3FD9]  }
0x89: {  	s3 =	sld [smem:$0x3FFE];
	_ =	sdelay $0x1  }
0x8a: {  	s1 =	srdreg.scid  }
0x8b: {  	s0 =	sand.u32 $0x1, s1  }
0x8c: {  	s16 =	sshll.u32 s0, $0xA;
	s2 =	sadd.s32 s3, s2  }
0x8d: {  	s2 =	sadd.s32 s2, s16  }
0x8e: {  	[smem:$0x3FBF] =	sst s2  }
0x8f: {  	_ = 	snop  }
0x90: {  	(tm) =	ssettm $0x1  }
0x91: {  	s17 =	sld [smem:$0x3FFB];
	_ =	sdelay $0x3  }
0x92: {  	_ =	strace s17  }
0x93: {  	s2 =	sld [smem:$0x3FFC];
	_ =	sdelay $0x3  }
0x94: {  	_ =	strace s2  }
0x95: {  	s2 =	sld [smem:$0x3FFD];
	_ =	sdelay $0x3  }
0x96: {  	_ =	strace s2  }
0x97: {  	_ =	strace $0x8FFFFFFF  }
0x98: {  	s18 =	sld [smem:$0x3FDB];
	_ =	sdelay $0x1  }
0x99: {  	s19 =	simm.s32 $_scs_section_size  }
0x9a: {  	s4 =	simm.s32 $_size__tile_overlayer_lowered;
	s5 =	simm.s32 $_tile_overlayer_lowered  }
0x9b: {  	s22 =	simm.s32 $0x1BFF;
	s21 =	sshll.u32 s5, $0x1;
	s2 =	sadd.s32 s19, s18  }
0x9c: {  	s6 =	simm.s32 $0x0;
	s20 =	sshll.u32 s4, $0x1;
	s4 =	sadd.s32 s21, s2  }
0x9d: {  	[timem:s6], [sflag:s22] =	dma.local [hbm:s4], s20  }
0x9e: {  	_ =	swait.ge [sflag:s22], s20  }
0x9f: {  	s3 =	ssub.s32 $0x0, s20;
	[sflag:s22] =	ssyncset.done $0x0  }
0xa0: {  	[sflag:s22] =	ssyncadd.s32 s3;
	_ =	sdelay $0x1  }
0xa1: {  	s23 =	simm.s32 $0x1B8B  }
0xa2: {  	_ =	swait.ge [sflag:s23], $0x1  }
0xa3: {  	[sflag:s23] =	ssyncset.done $0x0  }
0xa4: {  	s25 =	simm.s32 $0x1B8E;
	s24 =	sld [smem:$0x3FFE];
	[sflag:s23] =	ssyncadd.s32 $0xFFFFFFFF  }
0xa5: {  	s26 =	simm.s32 $execute0_lowered;
	[smem:$0x3FD2] =	sst s25  }
0xa6: {  	s4 =	sshll.u32 s26, $0x1;
	_ =	strace $0x80000046;
	[dreg:$0x1] =	wrdreg $0xFFFFFFFF  }
0xa7: {  	s28 =	simm.s32 $_size_execute0_lowered;
	s2 =	sadd.s32 s2, s4;
	[dreg:$0x0] =	wrdreg $0x0  }
0xa8: {  	s4 =	sshll.u32 s28, $0x1;
	[dreg:$0x2] =	wrdreg s2  }
0xa9: {  	[dreg:$0x3] =	wrdreg s4  }
0xaa: {  	[dreg:$0x4] =	wrdreg $0xC0  }
0xab: {  	_ =	task [dreg:s6], $0x5FFFF  }
0xac: {  	[dreg:$0x1] =	wrdreg $0xFFFFFFFF  }
0xad: {  	[dreg:$0x0] =	wrdreg $0x60  }
0xae: {  	[dreg:$0x2] =	wrdreg s24  }
0xaf: {  	[dreg:$0x3] =	wrdreg $0x188000  }
0xb0: {  	[dreg:$0x4] =	wrdreg $0x0  }
0xb1: {  	[dreg:$0x5] =	wrdreg $0xC4000  }
0xb2: {  	[dreg:$0x6] =	wrdreg $0x9  }
0xb3: {  	_ =	task.clear_ibuf [dreg:s6], $0x7FFFF;
	_ =	strace $0x90000046  }
0xb4: {  	s29 =	simm.s32 $0x9;
	_ =	strace $0x80000048  }
0xb5: {  	_ =	swait.ge [sflag:s29], $0x1  }
0xb6: {  	[sflag:s29] =	ssyncadd.s32 $0xFFFFFFFF  }
0xb7: {  	_ =	strace $0x90000048  }
0xb8: {  	_ =	sfence  }
0xb9: {  	s30 =	sld [smem:$0x0];
	_ =	sdelay $0x2  }
0xba: {  	s31 =	sshll.u32 s1, $0xD;
	s1 =	sshrl.u32 s1, $0x2  }
0xbb: {  	s3 =	sand.u32 $0x4000, s31;
	s1 =	sadd.s32 s1, s30  }
0xbc: {  	s0 =	sor.u32 s3, s0;
	s1 =	sshll.u32 s1, $0x11  }
0xbd: {  	s0 =	sor.u32 s1, s0  }
0xbe: {  	s0 =	sadd.s32 $0x8F2B, s0  }
0xbf: {  	[sflag:s0] =	ssyncadd.remote.s32 $0x1  }
0xc0: {  	_ =	sfence.sel $0xFFFF  }
0xc1: {  	[dreg:$0x0] =	wrdreg $0xFFFFFFFF;
	(pc) =	sbr.abs _section_cstart, $3  }
0xc2: {  	[dreg:$0x1] =	wrdreg $0xFFFFFFFF  }
0xc3: {  	_ =	task.clear_ibuf [dreg:s6], $0x2FFFF;
	_ =	strace $0x9FFFFFFF  }
0xc4: {  	(tm) =	ssettm $0x7FFFFFFF  }
0xc5: {  	_ =	shalt  }
tec
execute0_lowered:
.L_overlay_start_1:
0x0: {  	(tag) =	ssettag $0x1  }
0x1: {  	s0 =	rddreg [dreg:$0x0]  }
0x2: {  	s1 =	rddreg [dreg:$0x1]  }
0x3: {  	s2 =	rddreg [dreg:$0x2]  }
0x4: {  	s3 =	rddreg [dreg:$0x3];
	s16 =	stileid.u32  }
0x5: {  	s5 =	simm.s32 $0x0;
	s4 =	srdreg.scid;
	s7 =	smul.u32 $0x1880, s16  }
0x6: {  	[smem:$0x7FF] =	sst s5;
	s4 =	sand.u32 $0x1, s4  }
0x7: {  	s6 =	sadd.s32 $0x188E00, s0;
	s10 =	sadd.s32 $0x2400, s0;
	s31 =	sadd.s32 s7, s1  }
0x8: {  	_ =	strace $0x80000047;
	s12 =	sadd.s32 $0x188, s31;
	[dreg:$0x5] =	wrdreg s31  }
0x9: {  	s24 =	smul.u32 $0xC350, s16;
	s21 =	sadd.s32 $0x310, s31;
	[dreg:$0x6] =	wrdreg s12  }
0xa: {  	s26 =	smul.u32 $0x31, s16;
	s13 =	sadd.s32 $0x498, s31;
	[dreg:$0x7] =	wrdreg s21  }
0xb: {  	s29 =	smul.u32 $0x30D4, s16;
	s23 =	sadd.s32 $0x620, s31;
	[dreg:$0x8] =	wrdreg s13  }
0xc: {  	s9 =	ssub.s32 $0x2, s4;
	s14 =	sadd.s32 $0x7A8, s31;
	[dreg:$0x9] =	wrdreg s23  }
0xd: {  	s20 =	smul.u32 $0x310, s4;
	s25 =	sadd.s32 $0x930, s31;
	[dreg:$0xa] =	wrdreg s14  }
0xe: {  	s11 =	sshrl.u32 s9, $0x1;
	s15 =	sadd.s32 $0xAB8, s31;
	[dreg:$0xb] =	wrdreg s25  }
0xf: {  	s9 =	ssub.s32 s9, s11;
	s30 =	sadd.s32 $0xC40, s31;
	[dreg:$0xc] =	wrdreg s15  }
0x10: {  	s18 =	sadd.s32 s26, s20;
	s26 =	sadd.s32 $0x1260, s31;
	[dreg:$0xd] =	wrdreg s30  }
0x11: {  	s15 =	smul.u32 $0x31000, s16;
	s16 =	sadd.s32 $0xDC8, s31;
	[dreg:$0x13] =	wrdreg s26  }
0x12: {  	s22 =	smul.u32 $0xC3500, s4;
	s17 =	smax.u32 s9, $0x1;
	[dreg:$0xe] =	wrdreg s16  }
0x13: {  	s8 =	sadd.s32 $0x64000, s0;
	s23 =	sadd.s32 $0xF50, s31;
	[dreg:$0xf] =	wrdreg s17  }
0x14: {  	s12 =	sadd.s32 s24, s22;
	s25 =	sadd.s32 $0x10D8, s31;
	[dreg:$0x11] =	wrdreg s23  }
0x15: {  	s14 =	sadd.s32 s29, s10;
	s29 =	sadd.s32 $0x13E8, s31;
	[dreg:$0x12] =	wrdreg s25  }
0x16: {  	s22 =	sadd.s32 $0x19B2DA, s0;
	s30 =	sadd.s32 $0x1570, s31;
	[dreg:$0x14] =	wrdreg s29  }
0x17: {  	s9 =	sadd.s32 $0x16F8, s31;
	s13 =	sadd.s32 $0x186A00, s12;
	[dreg:$0x15] =	wrdreg s30  }
0x18: {  	s12 =	sshrl.u32 s12, $0x3;
	[dreg:$0x16] =	wrdreg s9;
	s21 =	sshrl.u32 s15, $0x2  }
0x19: {  	s11 =	sshrl.u32 s13, $0x3;
	s19 =	sadd.s32 s12, s10;
	s0 =	sadd.s32 s21, s3  }
0x1a: {  	s20 =	sadd.s32 s11, s10;
	s10 =	sadd.s32 $0xC40, s0;
	[dreg:$0x10] =	wrdreg s0  }
0x1b: {  	s11 =	sadd.s32 $0x1880, s0;
	[dreg:$0x17] =	wrdreg s10  }
0x1c: {  	s12 =	sadd.s32 $0x24C0, s0;
	[dreg:$0x18] =	wrdreg s11  }
0x1d: {  	s13 =	sadd.s32 $0x3100, s0;
	[dreg:$0x19] =	wrdreg s12  }
0x1e: {  	v0 =	vimm.s32 $0x381;
	vm0 =	vcmask $0x300;
	s24 =	sadd.s32 $0x30D40, s14;
	s14 =	sadd.s32 $0x3D40, s0;
	[dreg:$0x1a] =	wrdreg s13  }
0x1f: {  	v0 =	vsel vm0, $0x0, v0;
	vm0 =	vcmask $0x704;
	s15 =	sadd.s32 $0x4980, s0;
	[dreg:$0x1b] =	wrdreg s14  }
0x20: {  	v0 =	vsel vm0, $0x80, v0;
	vm0 =	vcmask $0xB08;
	s16 =	sadd.s32 $0x55C0, s0;
	[dreg:$0x1c] =	wrdreg s15  }
0x21: {  	v0 =	vsel vm0, $0x100, v0;
	vm0 =	vcmask $0xF0C;
	s17 =	sadd.s32 $0x6200, s0;
	[dreg:$0x1d] =	wrdreg s16  }
0x22: {  	v0 =	vsel vm0, $0x180, v0;
	vm0 =	vcmask $0x1310;
	s21 =	sadd.s32 $0x6E40, s0;
	[dreg:$0x1e] =	wrdreg s17  }
0x23: {  	v2 =	vimm.s32 $0x55543210;
	v0 =	vsel vm0, $0x200, v0;
	vm0 =	vcmask $0x1714;
	s23 =	sadd.s32 $0x7A80, s0;
	[dreg:$0x1f] =	wrdreg s21  }
0x24: {  	vm1 =	vcmask $0x3720;
	v0 =	vsel vm0, $0x280, v0;
	vm0 =	vcmask $0x1B18;
	s25 =	sadd.s32 $0x86C0, s0;
	[smem:$0x7F8] =	sst s23  }
0x25: {  	vm2 =	vcmask $0x1700;
	vm3 =	vcmask $0x1F1C;
	v0 =	vsel vm0, $0x300, v0;
	s26 =	sadd.s32 $0x9300, s0;
	[smem:$0x7F9] =	sst s25  }
0x26: {  	vm0 =	vmor vm2, vm1;
	vm1 =	vcmask $0x2320;
	v1 =	vsel vm3, $0x380, v0;
	s29 =	sadd.s32 $0x9F40, s0;
	[smem:$0x7FA] =	sst s26  }
0x27: {  	v7 =	vimm.f32 $0.0e+00;
	v3 =	vsel vm1, $0x1, v1;
	vm1 =	vcmask $0x2724;
	s30 =	sadd.s32 $0xAB80, s0;
	[smem:$0x7FB] =	sst s29  }
0x28: {  	s28 =	simm.s32 $0x0;
	v4 =	vunpack.c.l.s4.s8 v2;
	s0 =	sadd.s32 $0xB7C0, s0;
	v3 =	vsel vm1, $0x81, v3;
	vm1 =	vcmask $0x2B28;
	[smem:$0x7FC] =	sst s30  }
0x29: {  	p0 =	sne.s32 s4, $0x0;
	s4 =	simm.s32 $0x1A080;
	v0 =	vimm.f32 $1.000000000e+00;
	[smem:$0x7FD] =	sst s0;
	v3 =	vsel vm1, $0x101, v3;
	vm1 =	vcmask $0x2F2C  }
0x2a: {  	v1 =	vlaneseq.u32;
	s10 =	simm.s32 $0x3;
	s11 =	simm.s32 $0x1DA40;
	s12 =	simm.s32 $0x3E8;
	v5 =	vsel vm1, $0x181, v3;
	vm1 =	vcmask $0x3330  }
0x2b: {  	v2 =	vshrl.u32 v1, $0x3;
	s13 =	simm.s32 $0x1A468;
	s14 =	simm.s32 $0x1BCE8;
	s15 =	simm.s32 $0x4;
	v5 =	vsel vm1, $0x201, v5;
	vm1 =	vcmask $0x3734  }
0x2c: {  	s16 =	simm.s32 $0x1C618;
	s17 =	simm.s32 $0x1D658;
	s25 =	simm.s32 $0x1;
	v6 =	vmul.u32 $0x8, v2;
	v5 =	vsel vm1, $0x281, v5;
	vm1 =	vcmask $0x3B38  }
0x2d: {  	s21 =	simm.s32 $0x2;
	s23 =	simm.s32 $0x1DE28;
	s26 =	simm.s32 $0x1D258;
	v3 =	vunpack.c.0.s8.s32 v4;
	v4 =	vand.u32 $0x7, v1;
	v5 =	vsel vm1, $0x301, v5  }
.LBB2_1:
0x2e: {  	s0 =	simm.s32 $0x40;
	s29 =	simm.s32 $0x0  }
.LBB2_2:
0x2f: {  	p1 =	sne.s32 s0, $0xF40;
	[tilespmem:s29+$0x1A080] =	vst v0;
	s9 =	smov.u32 s0;
	s0 =	sadd.s32 $0x40, s0  }
.Ltmp0:
0x30: {  	(pc) =	sbr.rel @p1 .LBB2_2-.Ltmp0, $2  }
0x31: {  	_ =	sdelay $0x2  }
0x32: {  	s29 =	sshra.s32 s9, $0x2  }
0x33: {  	[tilespmem:s29+$0x1A080] =	vst v0  }
0x34: {  	[spmem:s31] =	stream.linear.scatter [tilespmem:s4], [sflag:$0x3], $0x188, $0x38;
	[tilespmem:$0x1FD68] =	vst v63  }
0x35: {  	_ =	swait.ge [sflag:s10], $0x188  }
0x36: {  	[sflag:s10] =	ssyncset.done $0x0  }
0x37: {  	s0 =	rddreg [dreg:$0x6];
	[sflag:s10] =	ssyncadd.s32 $0xFFFFFE78  }
0x38: {  	[spmem:s0] =	stream.linear.scatter [tilespmem:s4], [sflag:$0x3], $0x188, $0x38;
	[tilespmem:$0x1FD68] =	vst v63  }
0x39: {  	_ =	swait.ge [sflag:s10], $0x188  }
0x3a: {  	[sflag:s10] =	ssyncset.done $0x0  }
0x3b: {  	s30 =	rddreg [dreg:$0x7];
	[sflag:s10] =	ssyncadd.s32 $0xFFFFFE78  }
0x3c: {  	[spmem:s30] =	stream.linear.scatter [tilespmem:s4], [sflag:$0x3], $0x188, $0x38;
	[tilespmem:$0x1FD68] =	vst v63  }
0x3d: {  	_ =	swait.ge [sflag:s10], $0x188  }
0x3e: {  	[sflag:s10] =	ssyncset.done $0x0  }
0x3f: {  	s9 =	rddreg [dreg:$0x8];
	[sflag:s10] =	ssyncadd.s32 $0xFFFFFE78  }
0x40: {  	[spmem:s9] =	stream.linear.scatter [tilespmem:s4], [sflag:$0x3], $0x188, $0x38;
	[tilespmem:$0x1FD68] =	vst v63  }
0x41: {  	_ =	swait.ge [sflag:s10], $0x188  }
0x42: {  	[sflag:s10] =	ssyncset.done $0x0  }
0x43: {  	s30 =	rddreg [dreg:$0x9];
	[sflag:s10] =	ssyncadd.s32 $0xFFFFFE78  }
0x44: {  	[spmem:s30] =	stream.linear.scatter [tilespmem:s4], [sflag:$0x3], $0x188, $0x38;
	[tilespmem:$0x1FD68] =	vst v63  }
0x45: {  	_ =	swait.ge [sflag:s10], $0x188  }
0x46: {  	[sflag:s10] =	ssyncset.done $0x0  }
0x47: {  	s9 =	rddreg [dreg:$0xa];
	[sflag:s10] =	ssyncadd.s32 $0xFFFFFE78  }
0x48: {  	[spmem:s9] =	stream.linear.scatter [tilespmem:s4], [sflag:$0x3], $0x188, $0x38;
	[tilespmem:$0x1FD68] =	vst v63  }
0x49: {  	_ =	swait.ge [sflag:s10], $0x188  }
0x4a: {  	[sflag:s10] =	ssyncset.done $0x0  }
0x4b: {  	s30 =	rddreg [dreg:$0xb];
	[sflag:s10] =	ssyncadd.s32 $0xFFFFFE78  }
0x4c: {  	[spmem:s30] =	stream.linear.scatter [tilespmem:s4], [sflag:$0x3], $0x188, $0x38;
	[tilespmem:$0x1FD68] =	vst v63  }
0x4d: {  	_ =	swait.ge [sflag:s10], $0x188  }
0x4e: {  	[sflag:s10] =	ssyncset.done $0x0  }
0x4f: {  	s9 =	rddreg [dreg:$0xc];
	[sflag:s10] =	ssyncadd.s32 $0xFFFFFE78  }
0x50: {  	[spmem:s9] =	stream.linear.scatter [tilespmem:s4], [sflag:$0x3], $0x188, $0x38;
	[tilespmem:$0x1FD68] =	vst v63  }
0x51: {  	_ =	swait.ge [sflag:s10], $0x188  }
0x52: {  	[sflag:s10] =	ssyncset.done $0x0  }
0x53: {  	s30 =	rddreg [dreg:$0xd];
	[sflag:s10] =	ssyncadd.s32 $0xFFFFFE78  }
0x54: {  	[spmem:s30] =	stream.linear.scatter [tilespmem:s4], [sflag:$0x3], $0x188, $0x38;
	[tilespmem:$0x1FD68] =	vst v63  }
0x55: {  	_ =	swait.ge [sflag:s10], $0x188  }
0x56: {  	[sflag:s10] =	ssyncset.done $0x0  }
0x57: {  	s9 =	rddreg [dreg:$0xe];
	[sflag:s10] =	ssyncadd.s32 $0xFFFFFE78  }
0x58: {  	[spmem:s9] =	stream.linear.scatter [tilespmem:s4], [sflag:$0x3], $0x188, $0x38;
	[tilespmem:$0x1FD68] =	vst v63  }
0x59: {  	_ =	swait.ge [sflag:s10], $0x188  }
0x5a: {  	[sflag:s10] =	ssyncset.done $0x0  }
0x5b: {  	s30 =	rddreg [dreg:$0x11];
	[sflag:s10] =	ssyncadd.s32 $0xFFFFFE78  }
0x5c: {  	[spmem:s30] =	stream.linear.scatter [tilespmem:s4], [sflag:$0x3], $0x188, $0x38;
	[tilespmem:$0x1FD68] =	vst v63  }
0x5d: {  	_ =	swait.ge [sflag:s10], $0x188  }
0x5e: {  	[sflag:s10] =	ssyncset.done $0x0  }
0x5f: {  	s9 =	rddreg [dreg:$0x12];
	[sflag:s10] =	ssyncadd.s32 $0xFFFFFE78  }
0x60: {  	[spmem:s9] =	stream.linear.scatter [tilespmem:s4], [sflag:$0x3], $0x188, $0x38;
	[tilespmem:$0x1FD68] =	vst v63  }
0x61: {  	_ =	swait.ge [sflag:s10], $0x188  }
0x62: {  	[sflag:s10] =	ssyncset.done $0x0  }
0x63: {  	s30 =	rddreg [dreg:$0x13];
	[sflag:s10] =	ssyncadd.s32 $0xFFFFFE78  }
0x64: {  	[spmem:s30] =	stream.linear.scatter [tilespmem:s4], [sflag:$0x3], $0x188, $0x38;
	[tilespmem:$0x1FD68] =	vst v63  }
0x65: {  	_ =	swait.ge [sflag:s10], $0x188  }
0x66: {  	[sflag:s10] =	ssyncset.done $0x0  }
0x67: {  	s9 =	rddreg [dreg:$0x14];
	[sflag:s10] =	ssyncadd.s32 $0xFFFFFE78  }
0x68: {  	[spmem:s9] =	stream.linear.scatter [tilespmem:s4], [sflag:$0x3], $0x188, $0x38;
	[tilespmem:$0x1FD68] =	vst v63  }
0x69: {  	_ =	swait.ge [sflag:s10], $0x188  }
0x6a: {  	[sflag:s10] =	ssyncset.done $0x0  }
0x6b: {  	s30 =	rddreg [dreg:$0x15];
	[sflag:s10] =	ssyncadd.s32 $0xFFFFFE78  }
0x6c: {  	[spmem:s30] =	stream.linear.scatter [tilespmem:s4], [sflag:$0x3], $0x188, $0x38;
	[tilespmem:$0x1FD68] =	vst v63  }
0x6d: {  	_ =	swait.ge [sflag:s10], $0x188  }
0x6e: {  	[sflag:s10] =	ssyncset.done $0x0  }
0x6f: {  	s9 =	rddreg [dreg:$0x16];
	[sflag:s10] =	ssyncadd.s32 $0xFFFFFE78  }
0x70: {  	[spmem:s9] =	stream.linear.scatter [tilespmem:s4], [sflag:$0x3], $0x188, $0x38;
	[tilespmem:$0x1FD68] =	vst v63  }
0x71: {  	_ =	swait.ge [sflag:s10], $0x188  }
0x72: {  	[sflag:s10] =	ssyncset.done $0x0  }
0x73: {  	[sflag:s10] =	ssyncadd.s32 $0xFFFFFE78  }
0x74: {  	s30 =	sadd.s32 $0x0, s24;
	[bflag:$0x0] =	sbarrier.arrive $0xFFFF  }
0x75: {  	[tilespmem:s11], [sflag:$0x3] =	stream.linear.gather [hbm4b:s30+s5], $0x3E8, $0x38;
	[tilespmem:$0x1FD68] =	vst v63  }
0x76: {  	_ =	swait.ge [sflag:s10], $0x3E8  }
0x77: {  	[sflag:s10] =	ssyncset.done $0x0  }
0x78: {  	[sflag:s10] =	ssyncadd.s32 $0xFFFFFC18  }
0x79: {  	[spmem:s1] =	stream.indirect.scatter.add.f32 [tilespmem:s4], [sflag:$0x3], $0x1, s11, s12, $0xb8;
	[tilespmem:$0x1FD68] =	vst v63  }
0x7a: {  	_ =	swait.ge [sflag:s10], $0x3E8  }
0x7b: {  	s29 =	simm.s32 $0xFA;
	s0 =	simm.s32 $0x7D;
	[sflag:s10] =	ssyncset.done $0x0  }
.LBB2_4:
0x7c: {  	s9 =	sadd.s32 s0, s24  }
0x7d: {  	[sflag:s10] =	ssyncadd.s32 $0xFFFFFC18;
	s0 =	smov.u32 s29;
	s30 =	sadd.s32 $0x7D, s29  }
0x7e: {  	[tilespmem:s11], [sflag:$0x3] =	stream.linear.gather [hbm4b:s9+s5], $0x3E8, $0x38;
	[tilespmem:$0x1FD68] =	vst v63  }
0x7f: {  	p1 =	sne.s32 s29, $0x3057;
	_ =	swait.ge [sflag:s10], $0x3E8  }
.Ltmp1:
0x80: {  	[sflag:s10] =	ssyncset.done $0x0;
	(pc) =	sbr.rel @p1 .LBB2_4-.Ltmp1, $4  }
0x81: {  	[sflag:s10] =	ssyncadd.s32 $0xFFFFFC18  }
0x82: {  	[spmem:s1] =	stream.indirect.scatter.add.f32 [tilespmem:s4], [sflag:$0x3], $0x1, s11, s12, $0xb8;
	[tilespmem:$0x1FD68] =	vst v63  }
0x83: {  	_ =	swait.ge [sflag:s10], $0x3E8  }
0x84: {  	s29 =	smov.u32 s30;
	[sflag:s10] =	ssyncset.done $0x0  }
0x85: {  	s0 =	sadd.s32 s0, s24;
	[sflag:s10] =	ssyncadd.s32 $0xFFFFFC18  }
0x86: {  	[tilespmem:s11], [sflag:$0x3] =	stream.linear.gather [hbm4b:s0+s5], $0x3E8, $0x38;
	[tilespmem:$0x1FD68] =	vst v63  }
0x87: {  	_ =	swait.ge [sflag:s10], $0x3E8  }
0x88: {  	[sflag:s10] =	ssyncset.done $0x0  }
0x89: {  	[sflag:s10] =	ssyncadd.s32 $0xFFFFFC18  }
0x8a: {  	[spmem:s1] =	stream.indirect.scatter.add.f32 [tilespmem:s4], [sflag:$0x3], $0x1, s11, s12, $0xb8;
	[tilespmem:$0x1FD68] =	vst v63  }
0x8b: {  	_ =	swait.ge [sflag:s10], $0x3E8  }
0x8c: {  	[sflag:s10] =	ssyncset.done $0x0  }
0x8d: {  	[sflag:s10] =	ssyncadd.s32 $0xFFFFFC18  }
0x8e: {  	[bflag:$0x0] =	sbarrier.arrive $0xFFFF  }
0x8f: {  	[tilespmem:s13], [sflag:$0x3] =	stream.linear.gather [spmem:s31], $0x1880, $0x38;
	[tilespmem:$0x1FD68] =	vst v63  }
0x90: {  	_ =	swait.ge [sflag:s10], $0x1880  }
0x91: {  	s29 =	simm.s32 $0x0;
	[sflag:s10] =	ssyncset.done $0x0  }
0x92: {  	s30 =	simm.s32 $0x0;
	s31 =	simm.s32 $0x40;
	[sflag:s10] =	ssyncadd.s32 $0xFFFFE780  }
.LBB2_6:
0x93: {  	p1 =	sne.s32 s31, $0x61C0;
	v8 =	vld [tilespmem:s30+$0x1A468];
	_ =	sdelay $0x4  }
0x94: {  	v9 =	vshra.s32 v8, $0x1;
	v8 =	vmul.f32 $5.000000000e-01, v8  }
0x95: {  	v9 =	vsub.s32 $0x5F3759DF, v9  }
0x96: {  	v10 =	vmul.f32 v9, v8;
	_ =	sdelay $0x1  }
0x97: {  	v10 =	vmul.f32 v9, v10;
	_ =	sdelay $0x1  }
0x98: {  	v10 =	vsub.f32 $1.500000000e+00, v10;
	_ =	sdelay $0x1  }
0x99: {  	v9 =	vmul.f32 v9, v10;
	_ =	sdelay $0x1  }
0x9a: {  	v10 =	vmul.f32 v9, v8;
	_ =	sdelay $0x1  }
0x9b: {  	v10 =	vmul.f32 v10, v9;
	_ =	sdelay $0x1  }
0x9c: {  	v10 =	vsub.f32 $1.500000000e+00, v10;
	_ =	sdelay $0x1  }
0x9d: {  	v9 =	vmul.f32 v10, v9;
	_ =	sdelay $0x1  }
0x9e: {  	v8 =	vmul.f32 v9, v8;
	_ =	sdelay $0x1  }
0x9f: {  	v8 =	vmul.f32 v8, v9;
	_ =	sdelay $0x1  }
.Ltmp2:
0xa0: {  	v8 =	vsub.f32 $1.500000000e+00, v8;
	(pc) =	sbr.rel @p1 .LBB2_6-.Ltmp2, $3  }
0xa1: {  	_ = 	snop  }
0xa2: {  	v8 =	vmul.f32 v8, v9;
	_ =	sdelay $0x1  }
0xa3: {  	[tilespmem:s30+$0x1A468] =	vst v8;
	s30 =	sshra.s32 s31, $0x2;
	s31 =	sadd.s32 $0x40, s31  }
0xa4: {  	v8 =	vld [tilespmem:s30+$0x1A468];
	_ =	sdelay $0x4  }
0xa5: {  	v9 =	vshra.s32 v8, $0x1;
	v8 =	vmul.f32 $5.000000000e-01, v8  }
0xa6: {  	v9 =	vsub.s32 $0x5F3759DF, v9  }
0xa7: {  	v10 =	vmul.f32 v9, v8;
	_ =	sdelay $0x1  }
0xa8: {  	v10 =	vmul.f32 v9, v10;
	_ =	sdelay $0x1  }
0xa9: {  	v10 =	vsub.f32 $1.500000000e+00, v10;
	_ =	sdelay $0x1  }
0xaa: {  	v9 =	vmul.f32 v9, v10;
	_ =	sdelay $0x1  }
0xab: {  	v10 =	vmul.f32 v9, v8;
	_ =	sdelay $0x1  }
0xac: {  	v10 =	vmul.f32 v10, v9;
	_ =	sdelay $0x1  }
0xad: {  	v10 =	vsub.f32 $1.500000000e+00, v10;
	_ =	sdelay $0x1  }
0xae: {  	v9 =	vmul.f32 v10, v9;
	_ =	sdelay $0x1  }
0xaf: {  	v8 =	vmul.f32 v9, v8;
	_ =	sdelay $0x1  }
0xb0: {  	v8 =	vmul.f32 v8, v9;
	_ =	sdelay $0x1  }
.Ltmp3:
0xb1: {  	v8 =	vsub.f32 $1.500000000e+00, v8;
	(pc) =	sbr.rel .LBB2_8-.Ltmp3, $3  }
0xb2: {  	_ = 	snop  }
0xb3: {  	v8 =	vmul.f32 v8, v9;
	_ =	sdelay $0x1  }
0xb4: {  	[tilespmem:s30+$0x1A468] =	vst v8  }
.LBB2_17:
0xb5: {  	s29 =	sadd.s32 $0x1, s29  }
0xb6: {  	p1 =	sne.s32 s29, $0x10  }
.Ltmp4:
0xb7: {  	_ = 	snop;
	(pc) =	sbr.rel @!p1 .LBB2_18-.Ltmp4, $1  }
0xb8: {  	_ =	sdelay $0x3  }
.LBB2_8:
0xb9: {  	s31 =	smul.u32 $0x188, s29;
	_ =	sdelay $0x1  }
0xba: {  	s30 =	sadd.s32 s7, s31  }
0xbb: {  	p1 =	sgt.u32 s30, $0x18518  }
.Ltmp5:
0xbc: {  	_ = 	snop;
	(pc) =	sbr.rel @p1 .LBB2_10-.Ltmp5, $2  }
0xbd: {  	_ =	sdelay $0x2  }
0xbe: {  	s9 =	simm.s32 $0x0  }
0xbf: {  	s0 =	smul.u32 $0x6, s30;
	_ =	sdelay $0x1  }
0xc0: {  	s0 =	sshrl.u32 s0, $0x3  }
.Ltmp6:
0xc1: {  	s0 =	sadd.s32 s6, s0;
	(pc) =	sbr.rel .LBB2_13-.Ltmp6, $4  }
0xc2: {  	[tilespmem:s14], [sflag:$0x4] =	stream.linear.gather [hbm4b:s0+s5], $0x930, $0x38;
	[tilespmem:$0x1FD68] =	vst v63  }
0xc3: {  	_ =	swait.ge [sflag:s15], $0x930  }
0xc4: {  	[sflag:s15] =	ssyncset.done $0x0  }
0xc5: {  	[sflag:s15] =	ssyncadd.s32 $0xFFFFF6D0  }
.LBB2_10:
0xc6: {  	s0 =	simm.s32 $0x10;
	v8 =	vor.u32 s9, v1  }
.LBB2_11:
0xc7: {  	p1 =	sne.s32 s0, $0x920  }
.Ltmp7:
0xc8: {  	_ = 	snop;
	(pc) =	sbr.rel @p1 .LBB2_11-.Ltmp7, $3  }
0xc9: {  	_ =	sdelay $0x1  }
0xca: {  	[tilespmem:v8+s14+$0x0] =	vst.idx.msk $0xffff, v7;
	s9 =	smov.u32 s0;
	s0 =	sadd.s32 $0x10, s0  }
0xcb: {  	v8 =	vor.u32 s9, v1  }
0xcc: {  	_ =	sdelay $0x3  }
0xcd: {  	[tilespmem:v8+s14+$0x0] =	vst.idx.msk $0xffff, v7  }
0xce: {  	[tilespmem:s14], [sflag:$0x4] =	stream.linear.gather [hbm4b:s22+s5], $0xF0, $0x38;
	[tilespmem:$0x1FD68] =	vst v63  }
0xcf: {  	_ =	swait.ge [sflag:s15], $0xF0  }
0xd0: {  	[sflag:s15] =	ssyncset.done $0x0  }
0xd1: {  	[sflag:s15] =	ssyncadd.s32 $0xFFFFFF10  }
.LBB2_13:
0xd2: {  	s0 =	simm.s32 $0x0  }
0xd3: {  	v13 =	vor.u32 s0, v2  }
0xd4: {  	v9 =	vmov s31;
	v8 =	vmul.u32 $0x6, v13  }
0xd5: {  	v11 =	vadd.s32 v9, v13  }
0xd6: {  	v8 =	vadd.s32 v3, v8;
	_ =	sdelay $0x3  }
0xd7: {  	v11 =	vld.idx.msk [tilespmem:v11+s13+$0x0], $0xffff  }
0xd8: {  	s9 =	simm.s32 $0x2;
	v10 =	vld.idx.msk [tilespmem:v8+s14+$0x0], $0xffff  }
0xd9: {  	v8 =	vor.u32 s9, v2  }
0xda: {  	s31 =	simm.s32 $0x4;
	v13 =	vshll.u32 v13, $0x3;
	v12 =	vmul.u32 $0x6, v8  }
.LBB2_14:
0xdb: {  	p1 =	sne.s32 s31, $0x186;
	v13 =	vor.u32 v4, v13  }
0xdc: {  	v12 =	vadd.s32 v3, v12  }
0xdd: {  	v14 =	vadd.s32 v9, v8;
	v10 =	vmul.f32 v10, v11;
	_ =	sdelay $0x1  }
0xde: {  	v10 =	vnsel vm0, $0x0, v10  }
0xdf: {  	[tilespmem:v13+s16+$0x0] =	vst.idx.msk $0xffff, v10  }
.Ltmp8:
0xe0: {  	v10 =	vld.idx.msk [tilespmem:v12+s14+$0x0], $0xffff;
	(pc) =	sbr.rel @p1 .LBB2_14-.Ltmp8, $3  }
0xe1: {  	v11 =	vld.idx.msk [tilespmem:v14+s13+$0x0], $0xffff;
	_ =	sdelay $0x1  }
0xe2: {  	v14 =	vor.u32 s31, v2  }
0xe3: {  	v13 =	vshll.u32 v8, $0x3;
	s31 =	sadd.s32 $0x2, s31;
	v12 =	vmul.u32 $0x6, v14;
	v8 =	vmov v14  }
0xe4: {  	v13 =	vor.u32 v4, v13  }
0xe5: {  	v12 =	vadd.s32 v3, v12  }
0xe6: {  	v9 =	vadd.s32 v9, v8;
	v10 =	vmul.f32 v10, v11;
	_ =	sdelay $0x1  }
0xe7: {  	v10 =	vnsel vm0, $0x0, v10  }
0xe8: {  	[tilespmem:v13+s16+$0x0] =	vst.idx.msk $0xffff, v10  }
0xe9: {  	v10 =	vld.idx.msk [tilespmem:v12+s14+$0x0], $0xffff  }
0xea: {  	v9 =	vld.idx.msk [tilespmem:v9+s13+$0x0], $0xffff;
	_ =	sdelay $0x1  }
0xeb: {  	v8 =	vshll.u32 v8, $0x3  }
0xec: {  	v8 =	vor.u32 v4, v8;
	_ =	sdelay $0x1  }
0xed: {  	v9 =	vmul.f32 v10, v9;
	_ =	sdelay $0x1  }
0xee: {  	s0 =	sshll.u32 s30, $0x3;
	v9 =	vnsel vm0, $0x0, v9  }
.Ltmp9:
0xef: {  	s9 =	sadd.s32 s0, s2;
	[tilespmem:v8+s16+$0x0] =	vst.idx.msk $0xffff, v9;
	(pc) =	sbr.rel @p0 .LBB2_17-.Ltmp9, $4  }
0xf0: {  	[spmem:s9] =	stream.linear.scatter [tilespmem:s16], [sflag:$0x4], $0xC40, $0x38;
	[tilespmem:$0x1FD68] =	vst v63  }
0xf1: {  	_ =	swait.ge [sflag:s15], $0xC40  }
0xf2: {  	[sflag:s15] =	ssyncset.done $0x0  }
0xf3: {  	[sflag:s15] =	ssyncadd.s32 $0xFFFFF3C0  }
0xf4: {  	s0 =	sadd.s32 s0, s3;
	s29 =	sadd.s32 $0x1, s29  }
0xf5: {  	[spmem:s0] =	stream.linear.scatter [tilespmem:s16], [sflag:$0x3], $0xC40, $0x38;
	[tilespmem:$0x1FD68] =	vst v63  }
0xf6: {  	p1 =	seq.s32 s29, $0x10  }
.Ltmp10:
0xf7: {  	_ = 	snop;
	(pc) =	sbr.rel @!p1 .LBB2_8-.Ltmp10, $4  }
.Ltmp11:
0xf8: {  	_ = 	snop;
	(pc) =	sbr.rel @p1 .LBB2_21-.Ltmp11, $4  }
0xf9: {  	_ =	swait.ge [sflag:s10], $0xC40  }
0xfa: {  	[sflag:s10] =	ssyncset.done $0x0  }
0xfb: {  	[sflag:s10] =	ssyncadd.s32 $0xFFFFF3C0  }
0xfc: {  	_ = 	snop  }
.LBB2_18:
0xfd: {  	s0 =	simm.s32 $0x0  }
0xfe: {  	v8 =	vmov s0  }
0xff: {  	v8 =	vshll.u32 v8, $0x3  }
0x100: {  	v8 =	vor.u32 v6, v8  }
0x101: {  	s0 =	simm.s32 $0x2;
	v8 =	vor.u32 v4, v8  }
.LBB2_19:
0x102: {  	p1 =	sne.s32 s0, $0x186  }
.Ltmp12:
0x103: {  	_ = 	snop;
	(pc) =	sbr.rel @p1 .LBB2_19-.Ltmp12, $4  }
0x104: {  	v9 =	vmov s0  }
0x105: {  	v9 =	vshll.u32 v9, $0x3  }
0x106: {  	v9 =	vor.u32 v6, v9  }
0x107: {  	s0 =	sadd.s32 $0x2, s0;
	[tilespmem:v8+s16+$0x0] =	vst.idx.msk $0xffff, v7;
	v8 =	vor.u32 v4, v9  }
0x108: {  	_ =	sdelay $0x3  }
0x109: {  	[tilespmem:v8+s16+$0x0] =	vst.idx.msk $0xffff, v7;
	s0 =	rddreg [dreg:$0x10]  }
0x10a: {  	[spmem:s0] =	stream.linear.scatter [tilespmem:s16], [sflag:$0x3], $0xC40, $0x38;
	[tilespmem:$0x1FD68] =	vst v63  }
0x10b: {  	_ =	swait.ge [sflag:s10], $0xC40  }
0x10c: {  	[sflag:s10] =	ssyncset.done $0x0  }
0x10d: {  	s29 =	rddreg [dreg:$0x17];
	[sflag:s10] =	ssyncadd.s32 $0xFFFFF3C0  }
0x10e: {  	[spmem:s29] =	stream.linear.scatter [tilespmem:s16], [sflag:$0x3], $0xC40, $0x38;
	[tilespmem:$0x1FD68] =	vst v63  }
0x10f: {  	_ =	swait.ge [sflag:s10], $0xC40  }
0x110: {  	[sflag:s10] =	ssyncset.done $0x0  }
0x111: {  	s30 =	rddreg [dreg:$0x18];
	[sflag:s10] =	ssyncadd.s32 $0xFFFFF3C0  }
0x112: {  	[spmem:s30] =	stream.linear.scatter [tilespmem:s16], [sflag:$0x3], $0xC40, $0x38;
	[tilespmem:$0x1FD68] =	vst v63  }
0x113: {  	_ =	swait.ge [sflag:s10], $0xC40  }
0x114: {  	[sflag:s10] =	ssyncset.done $0x0  }
0x115: {  	s31 =	rddreg [dreg:$0x19];
	[sflag:s10] =	ssyncadd.s32 $0xFFFFF3C0  }
0x116: {  	[spmem:s31] =	stream.linear.scatter [tilespmem:s16], [sflag:$0x3], $0xC40, $0x38;
	[tilespmem:$0x1FD68] =	vst v63  }
0x117: {  	_ =	swait.ge [sflag:s10], $0xC40  }
0x118: {  	[sflag:s10] =	ssyncset.done $0x0  }
0x119: {  	s9 =	rddreg [dreg:$0x1a];
	[sflag:s10] =	ssyncadd.s32 $0xFFFFF3C0  }
0x11a: {  	[spmem:s9] =	stream.linear.scatter [tilespmem:s16], [sflag:$0x3], $0xC40, $0x38;
	[tilespmem:$0x1FD68] =	vst v63  }
0x11b: {  	_ =	swait.ge [sflag:s10], $0xC40  }
0x11c: {  	[sflag:s10] =	ssyncset.done $0x0  }
0x11d: {  	s29 =	rddreg [dreg:$0x1b];
	[sflag:s10] =	ssyncadd.s32 $0xFFFFF3C0  }
0x11e: {  	[spmem:s29] =	stream.linear.scatter [tilespmem:s16], [sflag:$0x3], $0xC40, $0x38;
	[tilespmem:$0x1FD68] =	vst v63  }
0x11f: {  	_ =	swait.ge [sflag:s10], $0xC40  }
0x120: {  	[sflag:s10] =	ssyncset.done $0x0  }
0x121: {  	s30 =	rddreg [dreg:$0x1c];
	[sflag:s10] =	ssyncadd.s32 $0xFFFFF3C0  }
0x122: {  	[spmem:s30] =	stream.linear.scatter [tilespmem:s16], [sflag:$0x3], $0xC40, $0x38;
	[tilespmem:$0x1FD68] =	vst v63  }
0x123: {  	_ =	swait.ge [sflag:s10], $0xC40  }
0x124: {  	[sflag:s10] =	ssyncset.done $0x0  }
0x125: {  	s31 =	rddreg [dreg:$0x1d];
	[sflag:s10] =	ssyncadd.s32 $0xFFFFF3C0  }
0x126: {  	[spmem:s31] =	stream.linear.scatter [tilespmem:s16], [sflag:$0x3], $0xC40, $0x38;
	[tilespmem:$0x1FD68] =	vst v63  }
0x127: {  	_ =	swait.ge [sflag:s10], $0xC40  }
0x128: {  	[sflag:s10] =	ssyncset.done $0x0  }
0x129: {  	s9 =	rddreg [dreg:$0x1e];
	[sflag:s10] =	ssyncadd.s32 $0xFFFFF3C0  }
0x12a: {  	[spmem:s9] =	stream.linear.scatter [tilespmem:s16], [sflag:$0x3], $0xC40, $0x38;
	[tilespmem:$0x1FD68] =	vst v63  }
0x12b: {  	_ =	swait.ge [sflag:s10], $0xC40  }
0x12c: {  	[sflag:s10] =	ssyncset.done $0x0  }
0x12d: {  	s29 =	rddreg [dreg:$0x1f];
	[sflag:s10] =	ssyncadd.s32 $0xFFFFF3C0  }
0x12e: {  	[spmem:s29] =	stream.linear.scatter [tilespmem:s16], [sflag:$0x3], $0xC40, $0x38;
	[tilespmem:$0x1FD68] =	vst v63  }
0x12f: {  	_ =	swait.ge [sflag:s10], $0xC40  }
0x130: {  	s30 =	sld [smem:$0x7F8]  }
0x131: {  	[sflag:s10] =	ssyncset.done $0x0  }
0x132: {  	[sflag:s10] =	ssyncadd.s32 $0xFFFFF3C0  }
0x133: {  	[spmem:s30] =	stream.linear.scatter [tilespmem:s16], [sflag:$0x3], $0xC40, $0x38;
	[tilespmem:$0x1FD68] =	vst v63  }
0x134: {  	_ =	swait.ge [sflag:s10], $0xC40  }
0x135: {  	s31 =	sld [smem:$0x7F9]  }
0x136: {  	[sflag:s10] =	ssyncset.done $0x0  }
0x137: {  	[sflag:s10] =	ssyncadd.s32 $0xFFFFF3C0  }
0x138: {  	[spmem:s31] =	stream.linear.scatter [tilespmem:s16], [sflag:$0x3], $0xC40, $0x38;
	[tilespmem:$0x1FD68] =	vst v63  }
0x139: {  	_ =	swait.ge [sflag:s10], $0xC40  }
0x13a: {  	s9 =	sld [smem:$0x7FA]  }
0x13b: {  	[sflag:s10] =	ssyncset.done $0x0  }
0x13c: {  	[sflag:s10] =	ssyncadd.s32 $0xFFFFF3C0  }
0x13d: {  	[spmem:s9] =	stream.linear.scatter [tilespmem:s16], [sflag:$0x3], $0xC40, $0x38;
	[tilespmem:$0x1FD68] =	vst v63  }
0x13e: {  	_ =	swait.ge [sflag:s10], $0xC40  }
0x13f: {  	s29 =	sld [smem:$0x7FB]  }
0x140: {  	[sflag:s10] =	ssyncset.done $0x0  }
0x141: {  	[sflag:s10] =	ssyncadd.s32 $0xFFFFF3C0  }
0x142: {  	[spmem:s29] =	stream.linear.scatter [tilespmem:s16], [sflag:$0x3], $0xC40, $0x38;
	[tilespmem:$0x1FD68] =	vst v63  }
0x143: {  	_ =	swait.ge [sflag:s10], $0xC40  }
0x144: {  	s30 =	sld [smem:$0x7FC]  }
0x145: {  	[sflag:s10] =	ssyncset.done $0x0  }
0x146: {  	[sflag:s10] =	ssyncadd.s32 $0xFFFFF3C0  }
0x147: {  	[spmem:s30] =	stream.linear.scatter [tilespmem:s16], [sflag:$0x3], $0xC40, $0x38;
	[tilespmem:$0x1FD68] =	vst v63  }
0x148: {  	_ =	swait.ge [sflag:s10], $0xC40  }
0x149: {  	s31 =	sld [smem:$0x7FD]  }
0x14a: {  	[sflag:s10] =	ssyncset.done $0x0  }
0x14b: {  	[sflag:s10] =	ssyncadd.s32 $0xFFFFF3C0  }
0x14c: {  	[spmem:s31] =	stream.linear.scatter [tilespmem:s16], [sflag:$0x3], $0xC40, $0x38;
	[tilespmem:$0x1FD68] =	vst v63  }
0x14d: {  	_ =	swait.ge [sflag:s10], $0xC40  }
0x14e: {  	[sflag:s10] =	ssyncset.done $0x0  }
0x14f: {  	[sflag:s10] =	ssyncadd.s32 $0xFFFFF3C0  }
.LBB2_21:
0x150: {  	[bflag:$0x0] =	sbarrier.arrive $0xFFFF;
	s0 =	sadd.s32 $0x0, s19  }
0x151: {  	[tilespmem:s17], [sflag:$0x1] =	stream.linear.gather [hbm4b:s0+s5], $0x3E8, $0x38;
	[tilespmem:$0x1FD68] =	vst v63  }
0x152: {  	s31 =	sadd.s32 $0x0, s20  }
0x153: {  	[tilespmem:s11], [sflag:$0x2] =	stream.linear.gather [hbm4b:s31+s5], $0x3E8, $0x38;
	[tilespmem:$0x1FD68] =	vst v63  }
0x154: {  	_ =	swait.ge [sflag:s25], $0x3E8  }
0x155: {  	[sflag:s25] =	ssyncset.done $0x0  }
0x156: {  	[sflag:s25] =	ssyncadd.s32 $0xFFFFFC18  }
0x157: {  	_ =	swait.ge [sflag:s21], $0x3E8  }
0x158: {  	[sflag:s21] =	ssyncset.done $0x0  }
0x159: {  	[sflag:s21] =	ssyncadd.s32 $0xFFFFFC18  }
0x15a: {  	[tilespmem:s23], [sflag:$0x3] =	stream.indirect.gather [spmem:s2], $0x8, s17, s12, $0xb8;
	[tilespmem:$0x1FD68] =	vst v63  }
0x15b: {  	_ =	swait.ge [sflag:s10], $0x1F40  }
0x15c: {  	[sflag:s10] =	ssyncset.done $0x0  }
0x15d: {  	[sflag:s10] =	ssyncadd.s32 $0xFFFFE0C0  }
0x15e: {  	[spmem:s3] =	stream.indirect.scatter.add.f32 [tilespmem:s23], [sflag:$0x3], $0x8, s11, s12, $0xb8;
	[tilespmem:$0x1FD68] =	vst v63  }
0x15f: {  	_ =	swait.ge [sflag:s10], $0x1F40  }
0x160: {  	s29 =	simm.s32 $0x7D;
	s0 =	simm.s32 $0xFA;
	[sflag:s10] =	ssyncset.done $0x0  }
.LBB2_22:
0x161: {  	s9 =	sadd.s32 s29, s19  }
0x162: {  	[sflag:s10] =	ssyncadd.s32 $0xFFFFE0C0;
	s30 =	smov.u32 s0;
	s31 =	sadd.s32 $0x7D, s0  }
0x163: {  	[tilespmem:s17], [sflag:$0x1] =	stream.linear.gather [hbm4b:s9+s5], $0x3E8, $0x38;
	[tilespmem:$0x1FD68] =	vst v63  }
0x164: {  	p1 =	sne.s32 s0, $0x17ED;
	s0 =	sadd.s32 s29, s20;
	s29 =	smov.u32 s30  }
0x165: {  	[tilespmem:s11], [sflag:$0x2] =	stream.linear.gather [hbm4b:s0+s5], $0x3E8, $0x38;
	[tilespmem:$0x1FD68] =	vst v63  }
0x166: {  	_ =	swait.ge [sflag:s25], $0x3E8  }
0x167: {  	[sflag:s25] =	ssyncset.done $0x0  }
0x168: {  	[sflag:s25] =	ssyncadd.s32 $0xFFFFFC18  }
0x169: {  	_ =	swait.ge [sflag:s21], $0x3E8  }
0x16a: {  	[sflag:s21] =	ssyncset.done $0x0  }
0x16b: {  	[sflag:s21] =	ssyncadd.s32 $0xFFFFFC18  }
0x16c: {  	[tilespmem:s23], [sflag:$0x3] =	stream.indirect.gather [spmem:s2], $0x8, s17, s12, $0xb8;
	[tilespmem:$0x1FD68] =	vst v63  }
0x16d: {  	_ =	swait.ge [sflag:s10], $0x1F40  }
.Ltmp13:
0x16e: {  	[sflag:s10] =	ssyncset.done $0x0;
	(pc) =	sbr.rel @p1 .LBB2_22-.Ltmp13, $4  }
0x16f: {  	[sflag:s10] =	ssyncadd.s32 $0xFFFFE0C0  }
0x170: {  	[spmem:s3] =	stream.indirect.scatter.add.f32 [tilespmem:s23], [sflag:$0x3], $0x8, s11, s12, $0xb8;
	[tilespmem:$0x1FD68] =	vst v63  }
0x171: {  	_ =	swait.ge [sflag:s10], $0x1F40  }
0x172: {  	s0 =	smov.u32 s31;
	[sflag:s10] =	ssyncset.done $0x0  }
0x173: {  	s0 =	sadd.s32 s29, s19;
	[sflag:s10] =	ssyncadd.s32 $0xFFFFE0C0  }
0x174: {  	[tilespmem:s17], [sflag:$0x1] =	stream.linear.gather [hbm4b:s0+s5], $0x3E8, $0x38;
	[tilespmem:$0x1FD68] =	vst v63  }
0x175: {  	s31 =	sadd.s32 s29, s20  }
0x176: {  	[tilespmem:s11], [sflag:$0x2] =	stream.linear.gather [hbm4b:s31+s5], $0x3E8, $0x38;
	[tilespmem:$0x1FD68] =	vst v63  }
0x177: {  	_ =	swait.ge [sflag:s25], $0x3E8  }
0x178: {  	[sflag:s25] =	ssyncset.done $0x0  }
0x179: {  	[sflag:s25] =	ssyncadd.s32 $0xFFFFFC18  }
0x17a: {  	_ =	swait.ge [sflag:s21], $0x3E8  }
0x17b: {  	[sflag:s21] =	ssyncset.done $0x0  }
0x17c: {  	[sflag:s21] =	ssyncadd.s32 $0xFFFFFC18  }
0x17d: {  	[tilespmem:s23], [sflag:$0x3] =	stream.indirect.gather [spmem:s2], $0x8, s17, s12, $0xb8;
	[tilespmem:$0x1FD68] =	vst v63  }
0x17e: {  	_ =	swait.ge [sflag:s10], $0x1F40  }
0x17f: {  	[sflag:s10] =	ssyncset.done $0x0  }
0x180: {  	[sflag:s10] =	ssyncadd.s32 $0xFFFFE0C0  }
0x181: {  	[spmem:s3] =	stream.indirect.scatter.add.f32 [tilespmem:s23], [sflag:$0x3], $0x8, s11, s12, $0xb8;
	[tilespmem:$0x1FD68] =	vst v63  }
0x182: {  	_ =	swait.ge [sflag:s10], $0x1F40  }
0x183: {  	[sflag:s10] =	ssyncset.done $0x0  }
0x184: {  	[sflag:s10] =	ssyncadd.s32 $0xFFFFE0C0  }
0x185: {  	s29 =	simm.s32 $0x0;
	s30 =	simm.s32 $0x0;
	[bflag:$0x0] =	sbarrier.arrive $0xFFFF  }
.LBB2_24:
0x186: {  	s0 =	sshll.u32 s30, $0x7  }
0x187: {  	s9 =	sadd.s32 s7, s0  }
0x188: {  	v9 =	vor.u32 s29, v2;
	s9 =	sshll.u32 s9, $0x3  }
0x189: {  	v10 =	vshll.u32 v9, $0x3;
	s9 =	sand.u32 $0x3FFFFFF8, s9  }
0x18a: {  	v8 =	vmov s0;
	v10 =	vor.u32 v4, v10;
	s9 =	sadd.s32 s9, s3  }
0x18b: {  	v12 =	vor.u32 v8, v9;
	[tilespmem:s16], [sflag:$0x3] =	stream.linear.gather [spmem:s9], $0x400, $0x38;
	[tilespmem:$0x1FD68] =	vst v63  }
0x18c: {  	_ =	swait.ge [sflag:s10], $0x400  }
0x18d: {  	[sflag:s10] =	ssyncset.done $0x0  }
0x18e: {  	[sflag:s10] =	ssyncadd.s32 $0xFFFFFC00  }
0x18f: {  	v9 =	vld.idx.msk [tilespmem:v10+s16+$0x0], $0xffff  }
0x190: {  	s31 =	simm.s32 $0x2;
	v13 =	vmov s29;
	v10 =	vld.idx.msk [tilespmem:v12+s13+$0x0], $0xffff  }
0x191: {  	v11 =	vor.u32 s31, v2;
	v14 =	vand.u32 $0x7F, v13  }
0x192: {  	s0 =	simm.s32 $0x4;
	v13 =	vshll.u32 v11, $0x3;
	v12 =	vor.u32 v5, v14  }
.LBB2_25:
0x193: {  	p1 =	sne.s32 s0, $0x7E;
	v13 =	vor.u32 v4, v13  }
0x194: {  	v11 =	vor.u32 v8, v11  }
0x195: {  	v9 =	vmul.f32 v9, v10;
	_ =	sdelay $0x1  }
0x196: {  	[tilespmem:v12+s26+$0x0] =	vst.idx.msk $0xffff, v9  }
.Ltmp14:
0x197: {  	v9 =	vld.idx.msk [tilespmem:v13+s16+$0x0], $0xffff;
	(pc) =	sbr.rel @p1 .LBB2_25-.Ltmp14, $4  }
0x198: {  	v10 =	vld.idx.msk [tilespmem:v11+s13+$0x0], $0xffff  }
0x199: {  	v12 =	vmov s31;
	s31 =	smov.u32 s0  }
0x19a: {  	v12 =	vand.u32 $0x7F, v12;
	v11 =	vor.u32 s0, v2  }
0x19b: {  	s0 =	sadd.s32 $0x2, s0;
	v12 =	vor.u32 v5, v12;
	v13 =	vshll.u32 v11, $0x3  }
0x19c: {  	v13 =	vor.u32 v4, v13  }
0x19d: {  	v8 =	vor.u32 v8, v11  }
0x19e: {  	v9 =	vmul.f32 v9, v10;
	_ =	sdelay $0x1  }
0x19f: {  	[tilespmem:v12+s26+$0x0] =	vst.idx.msk $0xffff, v9  }
0x1a0: {  	v9 =	vld.idx.msk [tilespmem:v13+s16+$0x0], $0xffff  }
0x1a1: {  	v63 =	vmov s31;
	v8 =	vld.idx.msk [tilespmem:v8+s13+$0x0], $0xffff  }
0x1a2: {  	v10 =	vand.u32 $0x7F, v63  }
0x1a3: {  	v10 =	vor.u32 v5, v10;
	_ =	sdelay $0x2  }
0x1a4: {  	s0 =	sadd.s32 s30, s18;
	s30 =	sadd.s32 $0x1, s30;
	v8 =	vmul.f32 v9, v8  }
0x1a5: {  	s0 =	sshll.u32 s0, $0x7;
	p1 =	sne.s32 s30, $0x31  }
.Ltmp15:
0x1a6: {  	s0 =	sadd.s32 s8, s0;
	[tilespmem:v10+s26+$0x0] =	vst.idx.msk $0xffff, v8;
	(pc) =	sbr.rel @p1 .LBB2_24-.Ltmp15, $4  }
0x1a7: {  	[hbm4b:s0+s5] =	stream.linear.scatter [tilespmem:s26], [sflag:$0x3], $0x400, $0x38;
	[tilespmem:$0x1FD68] =	vst v63  }
0x1a8: {  	_ =	swait.ge [sflag:s10], $0x400  }
0x1a9: {  	[sflag:s10] =	ssyncset.done $0x0  }
0x1aa: {  	[sflag:s10] =	ssyncadd.s32 $0xFFFFFC00  }
0x1ab: {  	s28 =	sadd.s32 $0x1, s28;
	s0 =	rddreg [dreg:$0xf]  }
0x1ac: {  	p1 =	sne.s32 s28, s0  }
.Ltmp16:
0x1ad: {  	_ = 	snop;
	(pc) =	sbr.rel @p1 .LBB2_1-.Ltmp16, $2  }
0x1ae: {  	_ =	sdelay $0x2  }
0x1af: {  	s31 =	rddreg [dreg:$0x5]  }
0x1b0: {  	_ =	sfence.sel $0x180000  }
0x1b1: {  	[bflag:$0x0] =	sbarrier.arrive $0xFFFF  }
0x1b2: {  	_ =	strace $0x90000047  }
0x1b3: {  	s0 =	stileid.u32;
	[bflag:$0x2] =	sbarrier.arrive $0xFFFF  }
0x1b4: {  	p0 =	sne.s32 s0, $0x0;
	s0 =	rddreg [dreg:$0x4]  }
0x1b5: {  	s0 =	sadd.s32 @!p0 $0x100000, s0  }
0x1b6: {  	[sflag:s0] =	ssyncadd.tile.s32 @!p0 $0x1;
	_ =	shalt  }
.Lfunc_end2:
_tile_overlayer_lowered:
.L_overlay_start_2:
0x1b7: {  	(tag) =	ssettag $0x2  }
0x1b8: {  	s0 =	rddreg [dreg:$0x0];
	s2 =	stileid.u32  }
0x1b9: {  	s1 =	rddreg [dreg:$0x1];
	p0 =	sne.s32 s2, $0x0  }
0x1ba: {  	s3 =	rddreg [dreg:$0x2];
	[bflag:$0x3] =	sbarrier.arrive $0xFFFF;
	s2 =	simm.s32 @!p0 $0x1C03  }
0x1bb: {  	[timem:s3], [sflag:s2] =	dma.local @!p0 [hbm:s0], s1  }
0x1bc: {  	s0 =	simm.s32 @!p0 $0x3  }
0x1bd: {  	_ =	swait.ge @!p0 [sflag:s0], s1  }
0x1be: {  	s1 =	ssub.s32 @!p0 $0x0, s1;
	[sflag:s0] =	ssyncset.done @!p0 $0x0  }
0x1bf: {  	[sflag:s0] =	ssyncadd.s32 @!p0 s1  }
0x1c0: {  	[bflag:$0x3] =	sbarrier.arrive $0xFFFF  }
0x1c1: {  	_ =	shalt  }

</sc_bundles>
